<compile_context>
chip_gen: v7x
topology: tpu7x:2x2x1
jax: 0.10.2.dev20260603
libtpu: 0.0.44.dev20260713+nightly
codegen_flags: <defaults>
</compile_context>

<pallas_src>
import functools

import jax
import jax.numpy as jnp
from jax import lax
from jax.experimental import pallas as pl
from jax.experimental.pallas import tpu as pltpu
from jax.experimental.pallas import tpu_sc as plsc

N = 10000
E = 320000
C = 128
NCORES = 2
NSUB = 16
NW = NCORES * NSUB
EPW = E // NW
K = 125
NCH = EPW // K
RING = 40
NG = NCH // RING
NPAD = 10240
RPT = NPAD // NSUB
GR = NPAD // C
EC = 16000
GE = E // EC
ESUB = 4000
NSC = EC // ESUB


def _make_mesh():
    return plsc.VectorSubcoreMesh(core_axis_name="c", subcore_axis_name="s")


@functools.partial(
    pl.kernel,
    mesh=_make_mesh(),
    out_type=jax.ShapeDtypeStruct((NCORES, NPAD, C), jnp.float32),
    scratch_types=[
        pltpu.VMEM((NCH, K), jnp.int32),
        pltpu.VMEM((K, C), jnp.float32),
        pltpu.VMEM_SHARED((NPAD, C), jnp.float32),
    ],
)
def _hist_kernel(dst_hbm, ones_hbm, zeros_hbm, cnt_hbm, dst_v, ones_v, cnt_sh):
    cid = lax.axis_index("c")
    sid = lax.axis_index("s")
    wid = cid * NSUB + sid
    pltpu.sync_copy(dst_hbm.at[wid], dst_v)
    pltpu.sync_copy(ones_hbm, ones_v)
    pltpu.sync_copy(zeros_hbm.at[pl.ds(sid * RPT, RPT)],
                    cnt_sh.at[pl.ds(sid * RPT, RPT)])
    plsc.subcore_barrier()

    def body(i, carry):
        pltpu.sync_copy(ones_v, cnt_sh.at[dst_v.at[i]], add=True)
        return carry

    lax.fori_loop(0, NCH, body, 0)
    plsc.subcore_barrier()
    pltpu.sync_copy(cnt_sh.at[pl.ds(sid * RPT, RPT)],
                    cnt_hbm.at[cid, pl.ds(sid * RPT, RPT)])


@functools.partial(
    pl.kernel,
    mesh=_make_mesh(),
    out_type=jax.ShapeDtypeStruct((NCORES, NPAD, C), jnp.float32),
    scratch_types=[
        pltpu.VMEM((RING, K), jnp.int32),
        pltpu.VMEM((RING, K), jnp.int32),
        pltpu.VMEM((K, C), jnp.float32),
        pltpu.VMEM((K, C), jnp.float32),
        pltpu.VMEM_SHARED((NPAD, C), jnp.float32),
        pltpu.SemaphoreType.DMA,
        pltpu.SemaphoreType.DMA,
    ],
)
def _agg_kernel(src_hbm, dst_hbm, hs_hbm, zeros_hbm, out_hbm,
                src_v, dst_v, row_a, row_b, agg_sh, sem_a, sem_b):
    cid = lax.axis_index("c")
    sid = lax.axis_index("s")
    wid = cid * NSUB + sid
    pltpu.sync_copy(zeros_hbm.at[pl.ds(sid * RPT, RPT)],
                    agg_sh.at[pl.ds(sid * RPT, RPT)])
    plsc.subcore_barrier()

    for g in range(NG):
        pltpu.sync_copy(src_hbm.at[wid, pl.ds(g * RING, RING)], src_v)
        pltpu.sync_copy(dst_hbm.at[wid, pl.ds(g * RING, RING)], dst_v)
        pltpu.async_copy(hs_hbm.at[src_v.at[0]], row_a, sem_a)

        def body(i, carry):
            @pl.when(i % 2 == 0)
            def _even():
                @pl.when(i + 1 < RING)
                def _():
                    pltpu.async_copy(hs_hbm.at[src_v.at[i + 1]], row_b, sem_b)
                pltpu.make_async_copy(hs_hbm.at[src_v.at[i]], row_a, sem_a).wait()
                pltpu.sync_copy(row_a, agg_sh.at[dst_v.at[i]], add=True)

            @pl.when(i % 2 == 1)
            def _odd():
                @pl.when(i + 1 < RING)
                def _():
                    pltpu.async_copy(hs_hbm.at[src_v.at[i + 1]], row_a, sem_a)
                pltpu.make_async_copy(hs_hbm.at[src_v.at[i]], row_b, sem_b).wait()
                pltpu.sync_copy(row_b, agg_sh.at[dst_v.at[i]], add=True)

            return carry

        lax.fori_loop(0, RING, body, 0)
    plsc.subcore_barrier()
    pltpu.sync_copy(agg_sh.at[pl.ds(sid * RPT, RPT)],
                    out_hbm.at[cid, pl.ds(sid * RPT, RPT)])


RB = 2048
GB = NPAD // RB
CB = RB // C


def _mm_body(flat_ref, w_ref, h_ref):
    h_ref[...] = jnp.dot(flat_ref[...], w_ref[...],
                         preferred_element_type=jnp.float32)


def _matmul(flat, w):
    return pl.pallas_call(
        _mm_body,
        grid=(GB,),
        in_specs=[
            pl.BlockSpec((RB, C), lambda i: (i, 0)),
            pl.BlockSpec((C, C), lambda i: (0, 0)),
        ],
        out_specs=pl.BlockSpec((RB, C), lambda i: (i, 0)),
        out_shape=jax.ShapeDtypeStruct((NPAD, C), jnp.float32),
    )(flat, w)


def _scale_body(h_ref, c_ref, hs_ref):
    deg = c_ref[0, :, 0:1] + c_ref[1, :, 0:1] + 1.0
    hs_ref[...] = h_ref[...] * lax.rsqrt(deg)


def _scale(h, cnt_p):
    return pl.pallas_call(
        _scale_body,
        grid=(GB,),
        in_specs=[
            pl.BlockSpec((RB, C), lambda i: (i, 0)),
            pl.BlockSpec((NCORES, RB, C), lambda i: (0, i, 0)),
        ],
        out_specs=pl.BlockSpec((RB, C), lambda i: (i, 0)),
        out_shape=jax.ShapeDtypeStruct((NPAD, C), jnp.float32),
    )(h, cnt_p)


def _fin_body(p_ref, hs_ref, c_ref, b_ref, o_ref):
    deg = c_ref[0, :, 0:1] + c_ref[1, :, 0:1] + 1.0
    m = p_ref[0] + p_ref[1] + hs_ref[...]
    o_ref[...] = jnp.maximum(m * lax.rsqrt(deg) + b_ref[...], 0.0)


def _finalize(partials, hs, cnt, bias):
    return pl.pallas_call(
        _fin_body,
        grid=(GB,),
        in_specs=[
            pl.BlockSpec((NCORES, RB, C), lambda i: (0, i, 0)),
            pl.BlockSpec((RB, C), lambda i: (i, 0)),
            pl.BlockSpec((NCORES, RB, C), lambda i: (0, i, 0)),
            pl.BlockSpec((1, C), lambda i: (0, 0)),
        ],
        out_specs=pl.BlockSpec((RB, C), lambda i: (i, 0)),
        out_shape=jax.ShapeDtypeStruct((NPAD, C), jnp.float32),
    )(partials, hs, cnt, bias)


def kernel(x, edge_index, W, bias):
    b, c, t = x.shape
    flat = jnp.transpose(x, (0, 2, 1)).reshape(-1, c)
    flat = jnp.concatenate([flat, jnp.zeros((NPAD - N, c), flat.dtype)], axis=0)
    src = edge_index[0].reshape(NW, NCH, K)
    dst = edge_index[1].reshape(NW, NCH, K)
    ones_kc = jnp.ones((K, C), jnp.float32)
    zeros_nc = jnp.zeros((NPAD, C), jnp.float32)

    cnt_p = _hist_kernel(dst, ones_kc, zeros_nc)
    h = _matmul(flat, W)
    hs = _scale(h, cnt_p)
    partials = _agg_kernel(src, dst, hs, zeros_nc)
    out = _finalize(partials, hs, cnt_p, bias.reshape(1, C))
    return jnp.transpose(out[:N].reshape(b, t, C), (0, 2, 1))

# --- scband reference (transcript-rebuilt; emitter-appended) ---
"""Pipeline reference for scband-graph-conv-block-52965536694818 (READ-ONLY COPY).

The authoritative reference and input builder live on the scoring server;
editing this copy changes nothing except your own understanding.
"""

import jax, jax.numpy as jnp
import numpy as np


def setup_inputs(seed: int = 0) -> dict:
    key = jax.random.key(seed)
    k1, k2, k3 = jax.random.split(key, 3)
    b, c, t = 4, 128, 2500
    N = b * t  # 10000 graph nodes (batch is flattened into one big graph)
    E = 320000
    out_c = 128
    x = jax.random.normal(k1, (b, c, t), dtype=jnp.float32)
    edge_index = jax.random.randint(k2, (2, E), 0, N, dtype=jnp.int32)
    # GCNConv learned parameters (glorot-ish init for weight, zeros for bias)
    W = jax.random.normal(k3, (c, out_c), dtype=jnp.float32) * (1.0 / np.sqrt(c))
    bias = jnp.zeros((out_c,), dtype=jnp.float32)
    return {"x": x, "edge_index": edge_index, "W": W, "bias": bias}


def reference(x, edge_index, W, bias):
    # GraphConvBlock.forward: [b, c, t] -> flatten -> GCNConv -> relu -> [b, out_c, t]
    b, c, t = x.shape
    N = b * t
    flat = jnp.transpose(x, (0, 2, 1)).reshape(-1, c)  # [N, c]

    # --- GCNConv (PyG semantics): add self-loops, symmetric deg normalization ---
    loops = jnp.arange(N, dtype=edge_index.dtype)
    ei = jnp.concatenate([edge_index, jnp.stack([loops, loops], axis=0)], axis=1)
    src, dst = ei[0], ei[1]

    deg = jnp.zeros((N,), dtype=flat.dtype).at[dst].add(1.0)
    deg_inv_sqrt = jnp.where(deg > 0, jax.lax.rsqrt(jnp.maximum(deg, 1e-12)), 0.0)
    norm = deg_inv_sqrt[src] * deg_inv_sqrt[dst]  # [E+N]

    h = flat @ W  # [N, out_c] linear transform first
    msgs = h[src] * norm[:, None]  # gather + scale
    agg = jnp.zeros((N, W.shape[1]), dtype=flat.dtype).at[dst].add(msgs)  # scatter-add
    out = agg + bias

    out = jax.nn.relu(out)
    return jnp.transpose(out.reshape(b, t, -1), (0, 2, 1))  # [b, out_c, t]

if __name__ == "__main__":
    import jax
    _d = setup_inputs()
    print(jax.jit(kernel)(*tuple(_d.values())))

</pallas_src>

<mosaic_0001>
#map = affine_map<(d0, d1) -> (0, 0, 0)>
#map1 = affine_map<(d0, d1) -> (0, 0)>
module attributes {stable_mosaic.version = 14 : i64} {
  func.func @_hist_kernel(%arg0: i32, %arg1: i32, %arg2: memref<32x80x125xi32, #tpu.memory_space<hbm>>, %arg3: memref<125x128xf32, #tpu.memory_space<hbm>>, %arg4: memref<10240x128xf32, #tpu.memory_space<hbm>>, %arg5: memref<2x10240x128xf32, #tpu.memory_space<hbm>>, %arg6: memref<80x125xi32, #tpu.memory_space<vmem>>, %arg7: memref<125x128xf32, #tpu.memory_space<vmem>>, %arg8: memref<10240x128xf32, #tpu.memory_space<vmem_shared>>) attributes {dimension_semantics = [#tpu.dimension_semantics<core_parallel>, #tpu.dimension_semantics<subcore_parallel>], iteration_bounds = array<i64: 2, 16>, scalar_prefetch = 0 : i64, scratch_operands = 3 : i64, tpu.core_type = #tpu.core_type<sc_vector_subcore>, window_params = [{transform_indices = #map}, {transform_indices = #map1}, {transform_indices = #map1}, {transform_indices = #map}]} {
    %mul3A = arith.constant 16 : i32
    %mul3A_0 = arith.muli %arg0, %mul3A : i32
    %add3A = arith.addi %mul3A_0, %arg1 : i32
    "tpu.region"() ({
      %run_scoped3A = tpu.sem_alloc : memref<!tpu.dma_semaphore, #tpu.memory_space<semaphore_mem>>
      %dma_start3A = arith.constant 0 : i32
      %dma_start3A_15 = arith.constant 0 : i32
      %dma_start3A_16 = tpu.memref_slice %arg2[%add3A, %dma_start3A, %dma_start3A_15] : memref<32x80x125xi32, #tpu.memory_space<hbm>> -> memref<1x80x125xi32, #tpu.memory_space<hbm>>
      %dma_start3A_17 = tpu.memref_squeeze %dma_start3A_16 : memref<1x80x125xi32, #tpu.memory_space<hbm>> -> memref<80x125xi32, #tpu.memory_space<hbm>>
      %dma_start3A_18 = arith.constant 0 : i32
      %dma_start3A_19 = arith.constant 0 : i32
      %dma_start3A_20 = tpu.memref_slice %arg2[%add3A, %dma_start3A_18, %dma_start3A_19] : memref<32x80x125xi32, #tpu.memory_space<hbm>> -> memref<1x80x125xi32, #tpu.memory_space<hbm>>
      %dma_start3A_21 = tpu.memref_squeeze %dma_start3A_20 : memref<1x80x125xi32, #tpu.memory_space<hbm>> -> memref<80x125xi32, #tpu.memory_space<hbm>>
      tpu.enqueue_dma source(%dma_start3A_21 : memref<80x125xi32, #tpu.memory_space<hbm>>) target(%arg6 : memref<80x125xi32, #tpu.memory_space<vmem>>) target_semaphore(%run_scoped3A : memref<!tpu.dma_semaphore, #tpu.memory_space<semaphore_mem>>)
      %dma_wait3A = arith.constant 0 : i32
      %dma_wait3A_22 = arith.constant 0 : i32
      %dma_wait3A_23 = tpu.memref_slice %arg2[%add3A, %dma_wait3A, %dma_wait3A_22] : memref<32x80x125xi32, #tpu.memory_space<hbm>> -> memref<1x80x125xi32, #tpu.memory_space<hbm>>
      %dma_wait3A_24 = tpu.memref_squeeze %dma_wait3A_23 : memref<1x80x125xi32, #tpu.memory_space<hbm>> -> memref<80x125xi32, #tpu.memory_space<hbm>>
      %dma_wait3A_25 = arith.constant 0 : i32
      %dma_wait3A_26 = arith.constant 0 : i32
      %dma_wait3A_27 = tpu.memref_slice %arg2[%add3A, %dma_wait3A_25, %dma_wait3A_26] : memref<32x80x125xi32, #tpu.memory_space<hbm>> -> memref<1x80x125xi32, #tpu.memory_space<hbm>>
      %dma_wait3A_28 = tpu.memref_squeeze %dma_wait3A_27 : memref<1x80x125xi32, #tpu.memory_space<hbm>> -> memref<80x125xi32, #tpu.memory_space<hbm>>
      tpu.wait_dma2 semaphore(%run_scoped3A : memref<!tpu.dma_semaphore, #tpu.memory_space<semaphore_mem>>) src(%dma_wait3A_28 : memref<80x125xi32, #tpu.memory_space<hbm>>) dst(%arg6 : memref<80x125xi32, #tpu.memory_space<vmem>>)
      tpu.yield
    }) : () -> ()
    "tpu.region"() ({
      %run_scoped3A = tpu.sem_alloc : memref<!tpu.dma_semaphore, #tpu.memory_space<semaphore_mem>>
      tpu.enqueue_dma source(%arg3 : memref<125x128xf32, #tpu.memory_space<hbm>>) target(%arg7 : memref<125x128xf32, #tpu.memory_space<vmem>>) target_semaphore(%run_scoped3A : memref<!tpu.dma_semaphore, #tpu.memory_space<semaphore_mem>>)
      tpu.wait_dma2 semaphore(%run_scoped3A : memref<!tpu.dma_semaphore, #tpu.memory_space<semaphore_mem>>) src(%arg3 : memref<125x128xf32, #tpu.memory_space<hbm>>) dst(%arg7 : memref<125x128xf32, #tpu.memory_space<vmem>>)
      tpu.yield
    }) : () -> ()
    %mul3A_1 = arith.constant 640 : i32
    %mul3A_2 = arith.muli %arg1, %mul3A_1 : i32
    %mul3A_3 = arith.constant 640 : i32
    %mul3A_4 = arith.muli %arg1, %mul3A_3 : i32
    "tpu.region"() ({
      %run_scoped3A = tpu.sem_alloc : memref<!tpu.dma_semaphore, #tpu.memory_space<semaphore_mem>>
      %dma_start3A = arith.constant 0 : i32
      %dma_start3A_15 = tpu.memref_slice %arg8[%mul3A_4, %dma_start3A] : memref<10240x128xf32, #tpu.memory_space<vmem_shared>> -> memref<640x128xf32, #tpu.memory_space<vmem_shared>>
      %dma_start3A_16 = arith.constant 0 : i32
      %dma_start3A_17 = tpu.memref_slice %arg4[%mul3A_2, %dma_start3A_16] : memref<10240x128xf32, #tpu.memory_space<hbm>> -> memref<640x128xf32, #tpu.memory_space<hbm>>
      tpu.enqueue_dma source(%dma_start3A_17 : memref<640x128xf32, #tpu.memory_space<hbm>>) target(%dma_start3A_15 : memref<640x128xf32, #tpu.memory_space<vmem_shared>>) target_semaphore(%run_scoped3A : memref<!tpu.dma_semaphore, #tpu.memory_space<semaphore_mem>>)
      %dma_wait3A = arith.constant 0 : i32
      %dma_wait3A_18 = tpu.memref_slice %arg8[%mul3A_4, %dma_wait3A] : memref<10240x128xf32, #tpu.memory_space<vmem_shared>> -> memref<640x128xf32, #tpu.memory_space<vmem_shared>>
      %dma_wait3A_19 = arith.constant 0 : i32
      %dma_wait3A_20 = tpu.memref_slice %arg4[%mul3A_2, %dma_wait3A_19] : memref<10240x128xf32, #tpu.memory_space<hbm>> -> memref<640x128xf32, #tpu.memory_space<hbm>>
      tpu.wait_dma2 semaphore(%run_scoped3A : memref<!tpu.dma_semaphore, #tpu.memory_space<semaphore_mem>>) src(%dma_wait3A_20 : memref<640x128xf32, #tpu.memory_space<hbm>>) dst(%dma_wait3A_18 : memref<640x128xf32, #tpu.memory_space<vmem_shared>>)
      tpu.yield
    }) : () -> ()
    %barrier3A = arith.constant 0 : index
    tpu.barrier barrier_id(%barrier3A)
    %scan3A = arith.constant 0 : i32
    %scan3A_5 = arith.constant 0 : i32
    %scan3A_6 = arith.constant 80 : i32
    %scan3A_7 = arith.addi %scan3A_5, %scan3A_6 : i32
    %scan3A_8 = arith.constant 1 : i32
    scf.for %scan3A_15 = %scan3A_5 to %scan3A_7 step %scan3A_8  : i32 {
      "tpu.region"() ({
        %run_scoped3A = tpu.sem_alloc : memref<!tpu.dma_semaphore, #tpu.memory_space<semaphore_mem>>
        %dma_start3A = arith.constant 0 : i32
        %dma_start3A_16 = tpu.memref_slice %arg6[%scan3A_15, %dma_start3A] : memref<80x125xi32, #tpu.memory_space<vmem>> -> memref<1x125xi32, #tpu.memory_space<vmem>>
        %dma_start3A_17 = tpu.memref_squeeze %dma_start3A_16 : memref<1x125xi32, #tpu.memory_space<vmem>> -> memref<125xi32, #tpu.memory_space<vmem>>
        %dma_start3A_18 = arith.constant 0 : i32
        %dma_start3A_19 = arith.constant 0 : i32
        %dma_start3A_20 = tpu.memref_slice %arg8[%dma_start3A_18, %dma_start3A_19] : memref<10240x128xf32, #tpu.memory_space<vmem_shared>> -> memref<10240x128xf32, #tpu.memory_space<vmem_shared>>
        tpu.enqueue_indirect_dma source(%arg7 : memref<125x128xf32, #tpu.memory_space<vmem>>) target(%dma_start3A_20 : memref<10240x128xf32, #tpu.memory_space<vmem_shared>>) offsets(%dma_start3A_17 : memref<125xi32, #tpu.memory_space<vmem>>) semaphore(%run_scoped3A : memref<!tpu.dma_semaphore, #tpu.memory_space<semaphore_mem>>) {add = true}
        %dma_wait3A = arith.constant 0 : i32
        %dma_wait3A_21 = tpu.memref_slice %arg6[%scan3A_15, %dma_wait3A] : memref<80x125xi32, #tpu.memory_space<vmem>> -> memref<1x125xi32, #tpu.memory_space<vmem>>
        %dma_wait3A_22 = tpu.memref_squeeze %dma_wait3A_21 : memref<1x125xi32, #tpu.memory_space<vmem>> -> memref<125xi32, #tpu.memory_space<vmem>>
        %dma_wait3A_23 = arith.constant 0 : i32
        %dma_wait3A_24 = arith.constant 0 : i32
        %dma_wait3A_25 = tpu.memref_slice %arg8[%dma_wait3A_23, %dma_wait3A_24] : memref<10240x128xf32, #tpu.memory_space<vmem_shared>> -> memref<10240x128xf32, #tpu.memory_space<vmem_shared>>
        tpu.wait_indirect_dma semaphore(%run_scoped3A : memref<!tpu.dma_semaphore, #tpu.memory_space<semaphore_mem>>) src(%arg7 : memref<125x128xf32, #tpu.memory_space<vmem>>) dst(%dma_wait3A_25 : memref<10240x128xf32, #tpu.memory_space<vmem_shared>>)
        tpu.yield
      }) : () -> ()
    }
    %scan3A_9 = arith.constant 80 : i32
    %barrier3A_10 = arith.constant 0 : index
    tpu.barrier barrier_id(%barrier3A_10)
    %mul3A_11 = arith.constant 640 : i32
    %mul3A_12 = arith.muli %arg1, %mul3A_11 : i32
    %mul3A_13 = arith.constant 640 : i32
    %mul3A_14 = arith.muli %arg1, %mul3A_13 : i32
    "tpu.region"() ({
      %run_scoped3A = tpu.sem_alloc : memref<!tpu.dma_semaphore, #tpu.memory_space<semaphore_mem>>
      %dma_start3A = arith.constant 0 : i32
      %dma_start3A_15 = tpu.memref_slice %arg5[%arg0, %mul3A_14, %dma_start3A] : memref<2x10240x128xf32, #tpu.memory_space<hbm>> -> memref<1x640x128xf32, #tpu.memory_space<hbm>>
      %dma_start3A_16 = tpu.memref_squeeze %dma_start3A_15 : memref<1x640x128xf32, #tpu.memory_space<hbm>> -> memref<640x128xf32, #tpu.memory_space<hbm>>
      %dma_start3A_17 = arith.constant 0 : i32
      %dma_start3A_18 = tpu.memref_slice %arg8[%mul3A_12, %dma_start3A_17] : memref<10240x128xf32, #tpu.memory_space<vmem_shared>> -> memref<640x128xf32, #tpu.memory_space<vmem_shared>>
      tpu.enqueue_dma source(%dma_start3A_18 : memref<640x128xf32, #tpu.memory_space<vmem_shared>>) target(%dma_start3A_16 : memref<640x128xf32, #tpu.memory_space<hbm>>) target_semaphore(%run_scoped3A : memref<!tpu.dma_semaphore, #tpu.memory_space<semaphore_mem>>)
      %dma_wait3A = arith.constant 0 : i32
      %dma_wait3A_19 = tpu.memref_slice %arg5[%arg0, %mul3A_14, %dma_wait3A] : memref<2x10240x128xf32, #tpu.memory_space<hbm>> -> memref<1x640x128xf32, #tpu.memory_space<hbm>>
      %dma_wait3A_20 = tpu.memref_squeeze %dma_wait3A_19 : memref<1x640x128xf32, #tpu.memory_space<hbm>> -> memref<640x128xf32, #tpu.memory_space<hbm>>
      %dma_wait3A_21 = arith.constant 0 : i32
      %dma_wait3A_22 = tpu.memref_slice %arg8[%mul3A_12, %dma_wait3A_21] : memref<10240x128xf32, #tpu.memory_space<vmem_shared>> -> memref<640x128xf32, #tpu.memory_space<vmem_shared>>
      tpu.wait_dma2 semaphore(%run_scoped3A : memref<!tpu.dma_semaphore, #tpu.memory_space<semaphore_mem>>) src(%dma_wait3A_22 : memref<640x128xf32, #tpu.memory_space<vmem_shared>>) dst(%dma_wait3A_20 : memref<640x128xf32, #tpu.memory_space<hbm>>)
      tpu.yield
    }) : () -> ()
    return
  }
}

#map = affine_map<(d0, d1) -> (0, 0, 0)>
#map1 = affine_map<(d0, d1) -> (0, 0)>
module attributes {stable_mosaic.version = 14 : i64} {
  func.func @_agg_kernel(%arg0: i32, %arg1: i32, %arg2: memref<32x80x125xi32, #tpu.memory_space<hbm>>, %arg3: memref<32x80x125xi32, #tpu.memory_space<hbm>>, %arg4: memref<10240x128xf32, #tpu.memory_space<hbm>>, %arg5: memref<10240x128xf32, #tpu.memory_space<hbm>>, %arg6: memref<2x10240x128xf32, #tpu.memory_space<hbm>>, %arg7: memref<40x125xi32, #tpu.memory_space<vmem>>, %arg8: memref<40x125xi32, #tpu.memory_space<vmem>>, %arg9: memref<125x128xf32, #tpu.memory_space<vmem>>, %arg10: memref<125x128xf32, #tpu.memory_space<vmem>>, %arg11: memref<10240x128xf32, #tpu.memory_space<vmem_shared>>, %arg12: memref<!tpu.dma_semaphore, #tpu.memory_space<semaphore_mem>>, %arg13: memref<!tpu.dma_semaphore, #tpu.memory_space<semaphore_mem>>) attributes {dimension_semantics = [#tpu.dimension_semantics<core_parallel>, #tpu.dimension_semantics<subcore_parallel>], iteration_bounds = array<i64: 2, 16>, scalar_prefetch = 0 : i64, scratch_operands = 7 : i64, tpu.core_type = #tpu.core_type<sc_vector_subcore>, window_params = [{transform_indices = #map}, {transform_indices = #map}, {transform_indices = #map1}, {transform_indices = #map1}, {transform_indices = #map}]} {
    %mul3A = arith.constant 16 : i32
    %mul3A_0 = arith.muli %arg0, %mul3A : i32
    %add3A = arith.addi %mul3A_0, %arg1 : i32
    %mul3A_1 = arith.constant 640 : i32
    %mul3A_2 = arith.muli %arg1, %mul3A_1 : i32
    %mul3A_3 = arith.constant 640 : i32
    %mul3A_4 = arith.muli %arg1, %mul3A_3 : i32
    "tpu.region"() ({
      %run_scoped3A = tpu.sem_alloc : memref<!tpu.dma_semaphore, #tpu.memory_space<semaphore_mem>>
      %dma_start3A_34 = arith.constant 0 : i32
      %dma_start3A_35 = tpu.memref_slice %arg11[%mul3A_4, %dma_start3A_34] : memref<10240x128xf32, #tpu.memory_space<vmem_shared>> -> memref<640x128xf32, #tpu.memory_space<vmem_shared>>
      %dma_start3A_36 = arith.constant 0 : i32
      %dma_start3A_37 = tpu.memref_slice %arg5[%mul3A_2, %dma_start3A_36] : memref<10240x128xf32, #tpu.memory_space<hbm>> -> memref<640x128xf32, #tpu.memory_space<hbm>>
      tpu.enqueue_dma source(%dma_start3A_37 : memref<640x128xf32, #tpu.memory_space<hbm>>) target(%dma_start3A_35 : memref<640x128xf32, #tpu.memory_space<vmem_shared>>) target_semaphore(%run_scoped3A : memref<!tpu.dma_semaphore, #tpu.memory_space<semaphore_mem>>)
      %dma_wait3A = arith.constant 0 : i32
      %dma_wait3A_38 = tpu.memref_slice %arg11[%mul3A_4, %dma_wait3A] : memref<10240x128xf32, #tpu.memory_space<vmem_shared>> -> memref<640x128xf32, #tpu.memory_space<vmem_shared>>
      %dma_wait3A_39 = arith.constant 0 : i32
      %dma_wait3A_40 = tpu.memref_slice %arg5[%mul3A_2, %dma_wait3A_39] : memref<10240x128xf32, #tpu.memory_space<hbm>> -> memref<640x128xf32, #tpu.memory_space<hbm>>
      tpu.wait_dma2 semaphore(%run_scoped3A : memref<!tpu.dma_semaphore, #tpu.memory_space<semaphore_mem>>) src(%dma_wait3A_40 : memref<640x128xf32, #tpu.memory_space<hbm>>) dst(%dma_wait3A_38 : memref<640x128xf32, #tpu.memory_space<vmem_shared>>)
      tpu.yield
    }) : () -> ()
    %barrier3A = arith.constant 0 : index
    tpu.barrier barrier_id(%barrier3A)
    "tpu.region"() ({
      %run_scoped3A = tpu.sem_alloc : memref<!tpu.dma_semaphore, #tpu.memory_space<semaphore_mem>>
      %dma_start3A_34 = arith.constant 0 : i32
      %dma_start3A_35 = arith.constant 0 : i32
      %dma_start3A_36 = tpu.memref_slice %arg2[%add3A, %dma_start3A_34, %dma_start3A_35] : memref<32x80x125xi32, #tpu.memory_space<hbm>> -> memref<1x40x125xi32, #tpu.memory_space<hbm>>
      %dma_start3A_37 = tpu.memref_squeeze %dma_start3A_36 : memref<1x40x125xi32, #tpu.memory_space<hbm>> -> memref<40x125xi32, #tpu.memory_space<hbm>>
      %dma_start3A_38 = arith.constant 0 : i32
      %dma_start3A_39 = arith.constant 0 : i32
      %dma_start3A_40 = tpu.memref_slice %arg2[%add3A, %dma_start3A_38, %dma_start3A_39] : memref<32x80x125xi32, #tpu.memory_space<hbm>> -> memref<1x40x125xi32, #tpu.memory_space<hbm>>
      %dma_start3A_41 = tpu.memref_squeeze %dma_start3A_40 : memref<1x40x125xi32, #tpu.memory_space<hbm>> -> memref<40x125xi32, #tpu.memory_space<hbm>>
      tpu.enqueue_dma source(%dma_start3A_41 : memref<40x125xi32, #tpu.memory_space<hbm>>) target(%arg7 : memref<40x125xi32, #tpu.memory_space<vmem>>) target_semaphore(%run_scoped3A : memref<!tpu.dma_semaphore, #tpu.memory_space<semaphore_mem>>)
      %dma_wait3A = arith.constant 0 : i32
      %dma_wait3A_42 = arith.constant 0 : i32
      %dma_wait3A_43 = tpu.memref_slice %arg2[%add3A, %dma_wait3A, %dma_wait3A_42] : memref<32x80x125xi32, #tpu.memory_space<hbm>> -> memref<1x40x125xi32, #tpu.memory_space<hbm>>
      %dma_wait3A_44 = tpu.memref_squeeze %dma_wait3A_43 : memref<1x40x125xi32, #tpu.memory_space<hbm>> -> memref<40x125xi32, #tpu.memory_space<hbm>>
      %dma_wait3A_45 = arith.constant 0 : i32
      %dma_wait3A_46 = arith.constant 0 : i32
      %dma_wait3A_47 = tpu.memref_slice %arg2[%add3A, %dma_wait3A_45, %dma_wait3A_46] : memref<32x80x125xi32, #tpu.memory_space<hbm>> -> memref<1x40x125xi32, #tpu.memory_space<hbm>>
      %dma_wait3A_48 = tpu.memref_squeeze %dma_wait3A_47 : memref<1x40x125xi32, #tpu.memory_space<hbm>> -> memref<40x125xi32, #tpu.memory_space<hbm>>
      tpu.wait_dma2 semaphore(%run_scoped3A : memref<!tpu.dma_semaphore, #tpu.memory_space<semaphore_mem>>) src(%dma_wait3A_48 : memref<40x125xi32, #tpu.memory_space<hbm>>) dst(%arg7 : memref<40x125xi32, #tpu.memory_space<vmem>>)
      tpu.yield
    }) : () -> ()
    "tpu.region"() ({
      %run_scoped3A = tpu.sem_alloc : memref<!tpu.dma_semaphore, #tpu.memory_space<semaphore_mem>>
      %dma_start3A_34 = arith.constant 0 : i32
      %dma_start3A_35 = arith.constant 0 : i32
      %dma_start3A_36 = tpu.memref_slice %arg3[%add3A, %dma_start3A_34, %dma_start3A_35] : memref<32x80x125xi32, #tpu.memory_space<hbm>> -> memref<1x40x125xi32, #tpu.memory_space<hbm>>
      %dma_start3A_37 = tpu.memref_squeeze %dma_start3A_36 : memref<1x40x125xi32, #tpu.memory_space<hbm>> -> memref<40x125xi32, #tpu.memory_space<hbm>>
      %dma_start3A_38 = arith.constant 0 : i32
      %dma_start3A_39 = arith.constant 0 : i32
      %dma_start3A_40 = tpu.memref_slice %arg3[%add3A, %dma_start3A_38, %dma_start3A_39] : memref<32x80x125xi32, #tpu.memory_space<hbm>> -> memref<1x40x125xi32, #tpu.memory_space<hbm>>
      %dma_start3A_41 = tpu.memref_squeeze %dma_start3A_40 : memref<1x40x125xi32, #tpu.memory_space<hbm>> -> memref<40x125xi32, #tpu.memory_space<hbm>>
      tpu.enqueue_dma source(%dma_start3A_41 : memref<40x125xi32, #tpu.memory_space<hbm>>) target(%arg8 : memref<40x125xi32, #tpu.memory_space<vmem>>) target_semaphore(%run_scoped3A : memref<!tpu.dma_semaphore, #tpu.memory_space<semaphore_mem>>)
      %dma_wait3A = arith.constant 0 : i32
      %dma_wait3A_42 = arith.constant 0 : i32
      %dma_wait3A_43 = tpu.memref_slice %arg3[%add3A, %dma_wait3A, %dma_wait3A_42] : memref<32x80x125xi32, #tpu.memory_space<hbm>> -> memref<1x40x125xi32, #tpu.memory_space<hbm>>
      %dma_wait3A_44 = tpu.memref_squeeze %dma_wait3A_43 : memref<1x40x125xi32, #tpu.memory_space<hbm>> -> memref<40x125xi32, #tpu.memory_space<hbm>>
      %dma_wait3A_45 = arith.constant 0 : i32
      %dma_wait3A_46 = arith.constant 0 : i32
      %dma_wait3A_47 = tpu.memref_slice %arg3[%add3A, %dma_wait3A_45, %dma_wait3A_46] : memref<32x80x125xi32, #tpu.memory_space<hbm>> -> memref<1x40x125xi32, #tpu.memory_space<hbm>>
      %dma_wait3A_48 = tpu.memref_squeeze %dma_wait3A_47 : memref<1x40x125xi32, #tpu.memory_space<hbm>> -> memref<40x125xi32, #tpu.memory_space<hbm>>
      tpu.wait_dma2 semaphore(%run_scoped3A : memref<!tpu.dma_semaphore, #tpu.memory_space<semaphore_mem>>) src(%dma_wait3A_48 : memref<40x125xi32, #tpu.memory_space<hbm>>) dst(%arg8 : memref<40x125xi32, #tpu.memory_space<vmem>>)
      tpu.yield
    }) : () -> ()
    %dma_start3A = arith.constant 0 : i32
    %dma_start3A_5 = arith.constant 0 : i32
    %dma_start3A_6 = tpu.memref_slice %arg7[%dma_start3A, %dma_start3A_5] : memref<40x125xi32, #tpu.memory_space<vmem>> -> memref<1x125xi32, #tpu.memory_space<vmem>>
    %dma_start3A_7 = tpu.memref_squeeze %dma_start3A_6 : memref<1x125xi32, #tpu.memory_space<vmem>> -> memref<125xi32, #tpu.memory_space<vmem>>
    %dma_start3A_8 = arith.constant 0 : i32
    %dma_start3A_9 = arith.constant 0 : i32
    %dma_start3A_10 = tpu.memref_slice %arg4[%dma_start3A_8, %dma_start3A_9] : memref<10240x128xf32, #tpu.memory_space<hbm>> -> memref<10240x128xf32, #tpu.memory_space<hbm>>
    tpu.enqueue_indirect_dma source(%dma_start3A_10 : memref<10240x128xf32, #tpu.memory_space<hbm>>) target(%arg9 : memref<125x128xf32, #tpu.memory_space<vmem>>) offsets(%dma_start3A_7 : memref<125xi32, #tpu.memory_space<vmem>>) semaphore(%arg12 : memref<!tpu.dma_semaphore, #tpu.memory_space<semaphore_mem>>)
    %scan3A = arith.constant 0 : i32
    %scan3A_11 = arith.constant 0 : i32
    %scan3A_12 = arith.constant 40 : i32
    %scan3A_13 = arith.addi %scan3A_11, %scan3A_12 : i32
    %scan3A_14 = arith.constant 1 : i32
    scf.for %scan3A_34 = %scan3A_11 to %scan3A_13 step %scan3A_14  : i32 {
      %jit3A = arith.constant 2 : i32
      %eq3A = arith.constant 0 : i32
      %eq3A_35 = arith.cmpi eq, %jit3A, %eq3A : i32
      %jit3A_36 = arith.constant 1 : i32
      %select_n3A = arith.select %eq3A_35, %jit3A_36, %jit3A : i32
      %rem3A = arith.remsi %scan3A_34, %select_n3A : i32
      %ne3A = arith.constant 0 : i32
      %ne3A_37 = arith.cmpi ne, %rem3A, %ne3A : i32
      %lt3A = arith.constant 0 : i32
      %lt3A_38 = arith.cmpi slt, %rem3A, %lt3A : i32
      %lt3A_39 = arith.constant 0 : i32
      %lt3A_40 = arith.cmpi slt, %select_n3A, %lt3A_39 : i32
      %ne3A_41 = arith.xori %lt3A_38, %lt3A_40 : i1
      %and3A = arith.andi %ne3A_41, %ne3A_37 : i1
      %add3A_42 = arith.addi %rem3A, %select_n3A : i32
      %select_n3A_43 = arith.select %and3A, %add3A_42, %rem3A : i32
      %eq3A_44 = arith.constant 0 : i32
      %eq3A_45 = arith.cmpi eq, %select_n3A_43, %eq3A_44 : i32
      %convert_element_type3A = arith.extui %eq3A_45 : i1 to i32
      %cond3A = arith.constant 0 : i32
      %cond3A_46 = arith.cmpi ne, %convert_element_type3A, %cond3A : i32
      scf.if %cond3A_46 {
        %add3A_68 = arith.constant 1 : i32
        %add3A_69 = arith.addi %scan3A_34, %add3A_68 : i32
        %lt3A_70 = arith.constant 40 : i32
        %lt3A_71 = arith.cmpi slt, %add3A_69, %lt3A_70 : i32
        %convert_element_type3A_72 = arith.extui %lt3A_71 : i1 to i32
        %cond3A_73 = arith.constant 0 : i32
        %cond3A_74 = arith.cmpi ne, %convert_element_type3A_72, %cond3A_73 : i32
        scf.if %cond3A_74 {
          %add3A_80 = arith.constant 1 : i32
          %add3A_81 = arith.addi %scan3A_34, %add3A_80 : i32
          %dma_start3A_82 = arith.constant 0 : i32
          %dma_start3A_83 = tpu.memref_slice %arg7[%add3A_81, %dma_start3A_82] : memref<40x125xi32, #tpu.memory_space<vmem>> -> memref<1x125xi32, #tpu.memory_space<vmem>>
          %dma_start3A_84 = tpu.memref_squeeze %dma_start3A_83 : memref<1x125xi32, #tpu.memory_space<vmem>> -> memref<125xi32, #tpu.memory_space<vmem>>
          %dma_start3A_85 = arith.constant 0 : i32
          %dma_start3A_86 = arith.constant 0 : i32
          %dma_start3A_87 = tpu.memref_slice %arg4[%dma_start3A_85, %dma_start3A_86] : memref<10240x128xf32, #tpu.memory_space<hbm>> -> memref<10240x128xf32, #tpu.memory_space<hbm>>
          tpu.enqueue_indirect_dma source(%dma_start3A_87 : memref<10240x128xf32, #tpu.memory_space<hbm>>) target(%arg10 : memref<125x128xf32, #tpu.memory_space<vmem>>) offsets(%dma_start3A_84 : memref<125xi32, #tpu.memory_space<vmem>>) semaphore(%arg13 : memref<!tpu.dma_semaphore, #tpu.memory_space<semaphore_mem>>)
        } else {
        }
        %dma_wait3A = arith.constant 0 : i32
        %dma_wait3A_75 = tpu.memref_slice %arg7[%scan3A_34, %dma_wait3A] : memref<40x125xi32, #tpu.memory_space<vmem>> -> memref<1x125xi32, #tpu.memory_space<vmem>>
        %dma_wait3A_76 = tpu.memref_squeeze %dma_wait3A_75 : memref<1x125xi32, #tpu.memory_space<vmem>> -> memref<125xi32, #tpu.memory_space<vmem>>
        %dma_wait3A_77 = arith.constant 0 : i32
        %dma_wait3A_78 = arith.constant 0 : i32
        %dma_wait3A_79 = tpu.memref_slice %arg4[%dma_wait3A_77, %dma_wait3A_78] : memref<10240x128xf32, #tpu.memory_space<hbm>> -> memref<10240x128xf32, #tpu.memory_space<hbm>>
        tpu.wait_indirect_dma semaphore(%arg12 : memref<!tpu.dma_semaphore, #tpu.memory_space<semaphore_mem>>) src(%dma_wait3A_79 : memref<10240x128xf32, #tpu.memory_space<hbm>>) dst(%arg9 : memref<125x128xf32, #tpu.memory_space<vmem>>)
        "tpu.region"() ({
          %run_scoped3A = tpu.sem_alloc : memref<!tpu.dma_semaphore, #tpu.memory_space<semaphore_mem>>
          %dma_start3A_80 = arith.constant 0 : i32
          %dma_start3A_81 = tpu.memref_slice %arg8[%scan3A_34, %dma_start3A_80] : memref<40x125xi32, #tpu.memory_space<vmem>> -> memref<1x125xi32, #tpu.memory_space<vmem>>
          %dma_start3A_82 = tpu.memref_squeeze %dma_start3A_81 : memref<1x125xi32, #tpu.memory_space<vmem>> -> memref<125xi32, #tpu.memory_space<vmem>>
          %dma_start3A_83 = arith.constant 0 : i32
          %dma_start3A_84 = arith.constant 0 : i32
          %dma_start3A_85 = tpu.memref_slice %arg11[%dma_start3A_83, %dma_start3A_84] : memref<10240x128xf32, #tpu.memory_space<vmem_shared>> -> memref<10240x128xf32, #tpu.memory_space<vmem_shared>>
          tpu.enqueue_indirect_dma source(%arg9 : memref<125x128xf32, #tpu.memory_space<vmem>>) target(%dma_start3A_85 : memref<10240x128xf32, #tpu.memory_space<vmem_shared>>) offsets(%dma_start3A_82 : memref<125xi32, #tpu.memory_space<vmem>>) semaphore(%run_scoped3A : memref<!tpu.dma_semaphore, #tpu.memory_space<semaphore_mem>>) {add = true}
          %dma_wait3A_86 = arith.constant 0 : i32
          %dma_wait3A_87 = tpu.memref_slice %arg8[%scan3A_34, %dma_wait3A_86] : memref<40x125xi32, #tpu.memory_space<vmem>> -> memref<1x125xi32, #tpu.memory_space<vmem>>
          %dma_wait3A_88 = tpu.memref_squeeze %dma_wait3A_87 : memref<1x125xi32, #tpu.memory_space<vmem>> -> memref<125xi32, #tpu.memory_space<vmem>>
          %dma_wait3A_89 = arith.constant 0 : i32
          %dma_wait3A_90 = arith.constant 0 : i32
          %dma_wait3A_91 = tpu.memref_slice %arg11[%dma_wait3A_89, %dma_wait3A_90] : memref<10240x128xf32, #tpu.memory_space<vmem_shared>> -> memref<10240x128xf32, #tpu.memory_space<vmem_shared>>
          tpu.wait_indirect_dma semaphore(%run_scoped3A : memref<!tpu.dma_semaphore, #tpu.memory_space<semaphore_mem>>) src(%arg9 : memref<125x128xf32, #tpu.memory_space<vmem>>) dst(%dma_wait3A_91 : memref<10240x128xf32, #tpu.memory_space<vmem_shared>>)
          tpu.yield
        }) : () -> ()
      } else {
      }
      %jit3A_47 = arith.constant 2 : i32
      %eq3A_48 = arith.constant 0 : i32
      %eq3A_49 = arith.cmpi eq, %jit3A_47, %eq3A_48 : i32
      %jit3A_50 = arith.constant 1 : i32
      %select_n3A_51 = arith.select %eq3A_49, %jit3A_50, %jit3A_47 : i32
      %rem3A_52 = arith.remsi %scan3A_34, %select_n3A_51 : i32
      %ne3A_53 = arith.constant 0 : i32
      %ne3A_54 = arith.cmpi ne, %rem3A_52, %ne3A_53 : i32
      %lt3A_55 = arith.constant 0 : i32
      %lt3A_56 = arith.cmpi slt, %rem3A_52, %lt3A_55 : i32
      %lt3A_57 = arith.constant 0 : i32
      %lt3A_58 = arith.cmpi slt, %select_n3A_51, %lt3A_57 : i32
      %ne3A_59 = arith.xori %lt3A_56, %lt3A_58 : i1
      %and3A_60 = arith.andi %ne3A_59, %ne3A_54 : i1
      %add3A_61 = arith.addi %rem3A_52, %select_n3A_51 : i32
      %select_n3A_62 = arith.select %and3A_60, %add3A_61, %rem3A_52 : i32
      %eq3A_63 = arith.constant 1 : i32
      %eq3A_64 = arith.cmpi eq, %select_n3A_62, %eq3A_63 : i32
      %convert_element_type3A_65 = arith.extui %eq3A_64 : i1 to i32
      %cond3A_66 = arith.constant 0 : i32
      %cond3A_67 = arith.cmpi ne, %convert_element_type3A_65, %cond3A_66 : i32
      scf.if %cond3A_67 {
        %add3A_68 = arith.constant 1 : i32
        %add3A_69 = arith.addi %scan3A_34, %add3A_68 : i32
        %lt3A_70 = arith.constant 40 : i32
        %lt3A_71 = arith.cmpi slt, %add3A_69, %lt3A_70 : i32
        %convert_element_type3A_72 = arith.extui %lt3A_71 : i1 to i32
        %cond3A_73 = arith.constant 0 : i32
        %cond3A_74 = arith.cmpi ne, %convert_element_type3A_72, %cond3A_73 : i32
        scf.if %cond3A_74 {
          %add3A_80 = arith.constant 1 : i32
          %add3A_81 = arith.addi %scan3A_34, %add3A_80 : i32
          %dma_start3A_82 = arith.constant 0 : i32
          %dma_start3A_83 = tpu.memref_slice %arg7[%add3A_81, %dma_start3A_82] : memref<40x125xi32, #tpu.memory_space<vmem>> -> memref<1x125xi32, #tpu.memory_space<vmem>>
          %dma_start3A_84 = tpu.memref_squeeze %dma_start3A_83 : memref<1x125xi32, #tpu.memory_space<vmem>> -> memref<125xi32, #tpu.memory_space<vmem>>
          %dma_start3A_85 = arith.constant 0 : i32
          %dma_start3A_86 = arith.constant 0 : i32
          %dma_start3A_87 = tpu.memref_slice %arg4[%dma_start3A_85, %dma_start3A_86] : memref<10240x128xf32, #tpu.memory_space<hbm>> -> memref<10240x128xf32, #tpu.memory_space<hbm>>
          tpu.enqueue_indirect_dma source(%dma_start3A_87 : memref<10240x128xf32, #tpu.memory_space<hbm>>) target(%arg9 : memref<125x128xf32, #tpu.memory_space<vmem>>) offsets(%dma_start3A_84 : memref<125xi32, #tpu.memory_space<vmem>>) semaphore(%arg12 : memref<!tpu.dma_semaphore, #tpu.memory_space<semaphore_mem>>)
        } else {
        }
        %dma_wait3A = arith.constant 0 : i32
        %dma_wait3A_75 = tpu.memref_slice %arg7[%scan3A_34, %dma_wait3A] : memref<40x125xi32, #tpu.memory_space<vmem>> -> memref<1x125xi32, #tpu.memory_space<vmem>>
        %dma_wait3A_76 = tpu.memref_squeeze %dma_wait3A_75 : memref<1x125xi32, #tpu.memory_space<vmem>> -> memref<125xi32, #tpu.memory_space<vmem>>
        %dma_wait3A_77 = arith.constant 0 : i32
        %dma_wait3A_78 = arith.constant 0 : i32
        %dma_wait3A_79 = tpu.memref_slice %arg4[%dma_wait3A_77, %dma_wait3A_78] : memref<10240x128xf32, #tpu.memory_space<hbm>> -> memref<10240x128xf32, #tpu.memory_space<hbm>>
        tpu.wait_indirect_dma semaphore(%arg13 : memref<!tpu.dma_semaphore, #tpu.memory_space<semaphore_mem>>) src(%dma_wait3A_79 : memref<10240x128xf32, #tpu.memory_space<hbm>>) dst(%arg10 : memref<125x128xf32, #tpu.memory_space<vmem>>)
        "tpu.region"() ({
          %run_scoped3A = tpu.sem_alloc : memref<!tpu.dma_semaphore, #tpu.memory_space<semaphore_mem>>
          %dma_start3A_80 = arith.constant 0 : i32
          %dma_start3A_81 = tpu.memref_slice %arg8[%scan3A_34, %dma_start3A_80] : memref<40x125xi32, #tpu.memory_space<vmem>> -> memref<1x125xi32, #tpu.memory_space<vmem>>
          %dma_start3A_82 = tpu.memref_squeeze %dma_start3A_81 : memref<1x125xi32, #tpu.memory_space<vmem>> -> memref<125xi32, #tpu.memory_space<vmem>>
          %dma_start3A_83 = arith.constant 0 : i32
          %dma_start3A_84 = arith.constant 0 : i32
          %dma_start3A_85 = tpu.memref_slice %arg11[%dma_start3A_83, %dma_start3A_84] : memref<10240x128xf32, #tpu.memory_space<vmem_shared>> -> memref<10240x128xf32, #tpu.memory_space<vmem_shared>>
          tpu.enqueue_indirect_dma source(%arg10 : memref<125x128xf32, #tpu.memory_space<vmem>>) target(%dma_start3A_85 : memref<10240x128xf32, #tpu.memory_space<vmem_shared>>) offsets(%dma_start3A_82 : memref<125xi32, #tpu.memory_space<vmem>>) semaphore(%run_scoped3A : memref<!tpu.dma_semaphore, #tpu.memory_space<semaphore_mem>>) {add = true}
          %dma_wait3A_86 = arith.constant 0 : i32
          %dma_wait3A_87 = tpu.memref_slice %arg8[%scan3A_34, %dma_wait3A_86] : memref<40x125xi32, #tpu.memory_space<vmem>> -> memref<1x125xi32, #tpu.memory_space<vmem>>
          %dma_wait3A_88 = tpu.memref_squeeze %dma_wait3A_87 : memref<1x125xi32, #tpu.memory_space<vmem>> -> memref<125xi32, #tpu.memory_space<vmem>>
          %dma_wait3A_89 = arith.constant 0 : i32
          %dma_wait3A_90 = arith.constant 0 : i32
          %dma_wait3A_91 = tpu.memref_slice %arg11[%dma_wait3A_89, %dma_wait3A_90] : memref<10240x128xf32, #tpu.memory_space<vmem_shared>> -> memref<10240x128xf32, #tpu.memory_space<vmem_shared>>
          tpu.wait_indirect_dma semaphore(%run_scoped3A : memref<!tpu.dma_semaphore, #tpu.memory_space<semaphore_mem>>) src(%arg10 : memref<125x128xf32, #tpu.memory_space<vmem>>) dst(%dma_wait3A_91 : memref<10240x128xf32, #tpu.memory_space<vmem_shared>>)
          tpu.yield
        }) : () -> ()
      } else {
      }
    }
    %scan3A_15 = arith.constant 40 : i32
    "tpu.region"() ({
      %run_scoped3A = tpu.sem_alloc : memref<!tpu.dma_semaphore, #tpu.memory_space<semaphore_mem>>
      %dma_start3A_34 = arith.constant 40 : i32
      %dma_start3A_35 = arith.constant 0 : i32
      %dma_start3A_36 = tpu.memref_slice %arg2[%add3A, %dma_start3A_34, %dma_start3A_35] : memref<32x80x125xi32, #tpu.memory_space<hbm>> -> memref<1x40x125xi32, #tpu.memory_space<hbm>>
      %dma_start3A_37 = tpu.memref_squeeze %dma_start3A_36 : memref<1x40x125xi32, #tpu.memory_space<hbm>> -> memref<40x125xi32, #tpu.memory_space<hbm>>
      %dma_start3A_38 = arith.constant 40 : i32
      %dma_start3A_39 = arith.constant 0 : i32
      %dma_start3A_40 = tpu.memref_slice %arg2[%add3A, %dma_start3A_38, %dma_start3A_39] : memref<32x80x125xi32, #tpu.memory_space<hbm>> -> memref<1x40x125xi32, #tpu.memory_space<hbm>>
      %dma_start3A_41 = tpu.memref_squeeze %dma_start3A_40 : memref<1x40x125xi32, #tpu.memory_space<hbm>> -> memref<40x125xi32, #tpu.memory_space<hbm>>
      tpu.enqueue_dma source(%dma_start3A_41 : memref<40x125xi32, #tpu.memory_space<hbm>>) target(%arg7 : memref<40x125xi32, #tpu.memory_space<vmem>>) target_semaphore(%run_scoped3A : memref<!tpu.dma_semaphore, #tpu.memory_space<semaphore_mem>>)
      %dma_wait3A = arith.constant 40 : i32
      %dma_wait3A_42 = arith.constant 0 : i32
      %dma_wait3A_43 = tpu.memref_slice %arg2[%add3A, %dma_wait3A, %dma_wait3A_42] : memref<32x80x125xi32, #tpu.memory_space<hbm>> -> memref<1x40x125xi32, #tpu.memory_space<hbm>>
      %dma_wait3A_44 = tpu.memref_squeeze %dma_wait3A_43 : memref<1x40x125xi32, #tpu.memory_space<hbm>> -> memref<40x125xi32, #tpu.memory_space<hbm>>
      %dma_wait3A_45 = arith.constant 40 : i32
      %dma_wait3A_46 = arith.constant 0 : i32
      %dma_wait3A_47 = tpu.memref_slice %arg2[%add3A, %dma_wait3A_45, %dma_wait3A_46] : memref<32x80x125xi32, #tpu.memory_space<hbm>> -> memref<1x40x125xi32, #tpu.memory_space<hbm>>
      %dma_wait3A_48 = tpu.memref_squeeze %dma_wait3A_47 : memref<1x40x125xi32, #tpu.memory_space<hbm>> -> memref<40x125xi32, #tpu.memory_space<hbm>>
      tpu.wait_dma2 semaphore(%run_scoped3A : memref<!tpu.dma_semaphore, #tpu.memory_space<semaphore_mem>>) src(%dma_wait3A_48 : memref<40x125xi32, #tpu.memory_space<hbm>>) dst(%arg7 : memref<40x125xi32, #tpu.memory_space<vmem>>)
      tpu.yield
    }) : () -> ()
    "tpu.region"() ({
      %run_scoped3A = tpu.sem_alloc : memref<!tpu.dma_semaphore, #tpu.memory_space<semaphore_mem>>
      %dma_start3A_34 = arith.constant 40 : i32
      %dma_start3A_35 = arith.constant 0 : i32
      %dma_start3A_36 = tpu.memref_slice %arg3[%add3A, %dma_start3A_34, %dma_start3A_35] : memref<32x80x125xi32, #tpu.memory_space<hbm>> -> memref<1x40x125xi32, #tpu.memory_space<hbm>>
      %dma_start3A_37 = tpu.memref_squeeze %dma_start3A_36 : memref<1x40x125xi32, #tpu.memory_space<hbm>> -> memref<40x125xi32, #tpu.memory_space<hbm>>
      %dma_start3A_38 = arith.constant 40 : i32
      %dma_start3A_39 = arith.constant 0 : i32
      %dma_start3A_40 = tpu.memref_slice %arg3[%add3A, %dma_start3A_38, %dma_start3A_39] : memref<32x80x125xi32, #tpu.memory_space<hbm>> -> memref<1x40x125xi32, #tpu.memory_space<hbm>>
      %dma_start3A_41 = tpu.memref_squeeze %dma_start3A_40 : memref<1x40x125xi32, #tpu.memory_space<hbm>> -> memref<40x125xi32, #tpu.memory_space<hbm>>
      tpu.enqueue_dma source(%dma_start3A_41 : memref<40x125xi32, #tpu.memory_space<hbm>>) target(%arg8 : memref<40x125xi32, #tpu.memory_space<vmem>>) target_semaphore(%run_scoped3A : memref<!tpu.dma_semaphore, #tpu.memory_space<semaphore_mem>>)
      %dma_wait3A = arith.constant 40 : i32
      %dma_wait3A_42 = arith.constant 0 : i32
      %dma_wait3A_43 = tpu.memref_slice %arg3[%add3A, %dma_wait3A, %dma_wait3A_42] : memref<32x80x125xi32, #tpu.memory_space<hbm>> -> memref<1x40x125xi32, #tpu.memory_space<hbm>>
      %dma_wait3A_44 = tpu.memref_squeeze %dma_wait3A_43 : memref<1x40x125xi32, #tpu.memory_space<hbm>> -> memref<40x125xi32, #tpu.memory_space<hbm>>
      %dma_wait3A_45 = arith.constant 40 : i32
      %dma_wait3A_46 = arith.constant 0 : i32
      %dma_wait3A_47 = tpu.memref_slice %arg3[%add3A, %dma_wait3A_45, %dma_wait3A_46] : memref<32x80x125xi32, #tpu.memory_space<hbm>> -> memref<1x40x125xi32, #tpu.memory_space<hbm>>
      %dma_wait3A_48 = tpu.memref_squeeze %dma_wait3A_47 : memref<1x40x125xi32, #tpu.memory_space<hbm>> -> memref<40x125xi32, #tpu.memory_space<hbm>>
      tpu.wait_dma2 semaphore(%run_scoped3A : memref<!tpu.dma_semaphore, #tpu.memory_space<semaphore_mem>>) src(%dma_wait3A_48 : memref<40x125xi32, #tpu.memory_space<hbm>>) dst(%arg8 : memref<40x125xi32, #tpu.memory_space<vmem>>)
      tpu.yield
    }) : () -> ()
    %dma_start3A_16 = arith.constant 0 : i32
    %dma_start3A_17 = arith.constant 0 : i32
    %dma_start3A_18 = tpu.memref_slice %arg7[%dma_start3A_16, %dma_start3A_17] : memref<40x125xi32, #tpu.memory_space<vmem>> -> memref<1x125xi32, #tpu.memory_space<vmem>>
    %dma_start3A_19 = tpu.memref_squeeze %dma_start3A_18 : memref<1x125xi32, #tpu.memory_space<vmem>> -> memref<125xi32, #tpu.memory_space<vmem>>
    %dma_start3A_20 = arith.constant 0 : i32
    %dma_start3A_21 = arith.constant 0 : i32
    %dma_start3A_22 = tpu.memref_slice %arg4[%dma_start3A_20, %dma_start3A_21] : memref<10240x128xf32, #tpu.memory_space<hbm>> -> memref<10240x128xf32, #tpu.memory_space<hbm>>
    tpu.enqueue_indirect_dma source(%dma_start3A_22 : memref<10240x128xf32, #tpu.memory_space<hbm>>) target(%arg9 : memref<125x128xf32, #tpu.memory_space<vmem>>) offsets(%dma_start3A_19 : memref<125xi32, #tpu.memory_space<vmem>>) semaphore(%arg12 : memref<!tpu.dma_semaphore, #tpu.memory_space<semaphore_mem>>)
    %scan3A_23 = arith.constant 0 : i32
    %scan3A_24 = arith.constant 0 : i32
    %scan3A_25 = arith.constant 40 : i32
    %scan3A_26 = arith.addi %scan3A_24, %scan3A_25 : i32
    %scan3A_27 = arith.constant 1 : i32
    scf.for %scan3A_34 = %scan3A_24 to %scan3A_26 step %scan3A_27  : i32 {
      %jit3A = arith.constant 2 : i32
      %eq3A = arith.constant 0 : i32
      %eq3A_35 = arith.cmpi eq, %jit3A, %eq3A : i32
      %jit3A_36 = arith.constant 1 : i32
      %select_n3A = arith.select %eq3A_35, %jit3A_36, %jit3A : i32
      %rem3A = arith.remsi %scan3A_34, %select_n3A : i32
      %ne3A = arith.constant 0 : i32
      %ne3A_37 = arith.cmpi ne, %rem3A, %ne3A : i32
      %lt3A = arith.constant 0 : i32
      %lt3A_38 = arith.cmpi slt, %rem3A, %lt3A : i32
      %lt3A_39 = arith.constant 0 : i32
      %lt3A_40 = arith.cmpi slt, %select_n3A, %lt3A_39 : i32
      %ne3A_41 = arith.xori %lt3A_38, %lt3A_40 : i1
      %and3A = arith.andi %ne3A_41, %ne3A_37 : i1
      %add3A_42 = arith.addi %rem3A, %select_n3A : i32
      %select_n3A_43 = arith.select %and3A, %add3A_42, %rem3A : i32
      %eq3A_44 = arith.constant 0 : i32
      %eq3A_45 = arith.cmpi eq, %select_n3A_43, %eq3A_44 : i32
      %convert_element_type3A = arith.extui %eq3A_45 : i1 to i32
      %cond3A = arith.constant 0 : i32
      %cond3A_46 = arith.cmpi ne, %convert_element_type3A, %cond3A : i32
      scf.if %cond3A_46 {
        %add3A_68 = arith.constant 1 : i32
        %add3A_69 = arith.addi %scan3A_34, %add3A_68 : i32
        %lt3A_70 = arith.constant 40 : i32
        %lt3A_71 = arith.cmpi slt, %add3A_69, %lt3A_70 : i32
        %convert_element_type3A_72 = arith.extui %lt3A_71 : i1 to i32
        %cond3A_73 = arith.constant 0 : i32
        %cond3A_74 = arith.cmpi ne, %convert_element_type3A_72, %cond3A_73 : i32
        scf.if %cond3A_74 {
          %add3A_80 = arith.constant 1 : i32
          %add3A_81 = arith.addi %scan3A_34, %add3A_80 : i32
          %dma_start3A_82 = arith.constant 0 : i32
          %dma_start3A_83 = tpu.memref_slice %arg7[%add3A_81, %dma_start3A_82] : memref<40x125xi32, #tpu.memory_space<vmem>> -> memref<1x125xi32, #tpu.memory_space<vmem>>
          %dma_start3A_84 = tpu.memref_squeeze %dma_start3A_83 : memref<1x125xi32, #tpu.memory_space<vmem>> -> memref<125xi32, #tpu.memory_space<vmem>>
          %dma_start3A_85 = arith.constant 0 : i32
          %dma_start3A_86 = arith.constant 0 : i32
          %dma_start3A_87 = tpu.memref_slice %arg4[%dma_start3A_85, %dma_start3A_86] : memref<10240x128xf32, #tpu.memory_space<hbm>> -> memref<10240x128xf32, #tpu.memory_space<hbm>>
          tpu.enqueue_indirect_dma source(%dma_start3A_87 : memref<10240x128xf32, #tpu.memory_space<hbm>>) target(%arg10 : memref<125x128xf32, #tpu.memory_space<vmem>>) offsets(%dma_start3A_84 : memref<125xi32, #tpu.memory_space<vmem>>) semaphore(%arg13 : memref<!tpu.dma_semaphore, #tpu.memory_space<semaphore_mem>>)
        } else {
        }
        %dma_wait3A = arith.constant 0 : i32
        %dma_wait3A_75 = tpu.memref_slice %arg7[%scan3A_34, %dma_wait3A] : memref<40x125xi32, #tpu.memory_space<vmem>> -> memref<1x125xi32, #tpu.memory_space<vmem>>
        %dma_wait3A_76 = tpu.memref_squeeze %dma_wait3A_75 : memref<1x125xi32, #tpu.memory_space<vmem>> -> memref<125xi32, #tpu.memory_space<vmem>>
        %dma_wait3A_77 = arith.constant 0 : i32
        %dma_wait3A_78 = arith.constant 0 : i32
        %dma_wait3A_79 = tpu.memref_slice %arg4[%dma_wait3A_77, %dma_wait3A_78] : memref<10240x128xf32, #tpu.memory_space<hbm>> -> memref<10240x128xf32, #tpu.memory_space<hbm>>
        tpu.wait_indirect_dma semaphore(%arg12 : memref<!tpu.dma_semaphore, #tpu.memory_space<semaphore_mem>>) src(%dma_wait3A_79 : memref<10240x128xf32, #tpu.memory_space<hbm>>) dst(%arg9 : memref<125x128xf32, #tpu.memory_space<vmem>>)
        "tpu.region"() ({
          %run_scoped3A = tpu.sem_alloc : memref<!tpu.dma_semaphore, #tpu.memory_space<semaphore_mem>>
          %dma_start3A_80 = arith.constant 0 : i32
          %dma_start3A_81 = tpu.memref_slice %arg8[%scan3A_34, %dma_start3A_80] : memref<40x125xi32, #tpu.memory_space<vmem>> -> memref<1x125xi32, #tpu.memory_space<vmem>>
          %dma_start3A_82 = tpu.memref_squeeze %dma_start3A_81 : memref<1x125xi32, #tpu.memory_space<vmem>> -> memref<125xi32, #tpu.memory_space<vmem>>
          %dma_start3A_83 = arith.constant 0 : i32
          %dma_start3A_84 = arith.constant 0 : i32
          %dma_start3A_85 = tpu.memref_slice %arg11[%dma_start3A_83, %dma_start3A_84] : memref<10240x128xf32, #tpu.memory_space<vmem_shared>> -> memref<10240x128xf32, #tpu.memory_space<vmem_shared>>
          tpu.enqueue_indirect_dma source(%arg9 : memref<125x128xf32, #tpu.memory_space<vmem>>) target(%dma_start3A_85 : memref<10240x128xf32, #tpu.memory_space<vmem_shared>>) offsets(%dma_start3A_82 : memref<125xi32, #tpu.memory_space<vmem>>) semaphore(%run_scoped3A : memref<!tpu.dma_semaphore, #tpu.memory_space<semaphore_mem>>) {add = true}
          %dma_wait3A_86 = arith.constant 0 : i32
          %dma_wait3A_87 = tpu.memref_slice %arg8[%scan3A_34, %dma_wait3A_86] : memref<40x125xi32, #tpu.memory_space<vmem>> -> memref<1x125xi32, #tpu.memory_space<vmem>>
          %dma_wait3A_88 = tpu.memref_squeeze %dma_wait3A_87 : memref<1x125xi32, #tpu.memory_space<vmem>> -> memref<125xi32, #tpu.memory_space<vmem>>
          %dma_wait3A_89 = arith.constant 0 : i32
          %dma_wait3A_90 = arith.constant 0 : i32
          %dma_wait3A_91 = tpu.memref_slice %arg11[%dma_wait3A_89, %dma_wait3A_90] : memref<10240x128xf32, #tpu.memory_space<vmem_shared>> -> memref<10240x128xf32, #tpu.memory_space<vmem_shared>>
          tpu.wait_indirect_dma semaphore(%run_scoped3A : memref<!tpu.dma_semaphore, #tpu.memory_space<semaphore_mem>>) src(%arg9 : memref<125x128xf32, #tpu.memory_space<vmem>>) dst(%dma_wait3A_91 : memref<10240x128xf32, #tpu.memory_space<vmem_shared>>)
          tpu.yield
        }) : () -> ()
      } else {
      }
      %jit3A_47 = arith.constant 2 : i32
      %eq3A_48 = arith.constant 0 : i32
      %eq3A_49 = arith.cmpi eq, %jit3A_47, %eq3A_48 : i32
      %jit3A_50 = arith.constant 1 : i32
      %select_n3A_51 = arith.select %eq3A_49, %jit3A_50, %jit3A_47 : i32
      %rem3A_52 = arith.remsi %scan3A_34, %select_n3A_51 : i32
      %ne3A_53 = arith.constant 0 : i32
      %ne3A_54 = arith.cmpi ne, %rem3A_52, %ne3A_53 : i32
      %lt3A_55 = arith.constant 0 : i32
      %lt3A_56 = arith.cmpi slt, %rem3A_52, %lt3A_55 : i32
      %lt3A_57 = arith.constant 0 : i32
      %lt3A_58 = arith.cmpi slt, %select_n3A_51, %lt3A_57 : i32
      %ne3A_59 = arith.xori %lt3A_56, %lt3A_58 : i1
      %and3A_60 = arith.andi %ne3A_59, %ne3A_54 : i1
      %add3A_61 = arith.addi %rem3A_52, %select_n3A_51 : i32
      %select_n3A_62 = arith.select %and3A_60, %add3A_61, %rem3A_52 : i32
      %eq3A_63 = arith.constant 1 : i32
      %eq3A_64 = arith.cmpi eq, %select_n3A_62, %eq3A_63 : i32
      %convert_element_type3A_65 = arith.extui %eq3A_64 : i1 to i32
      %cond3A_66 = arith.constant 0 : i32
      %cond3A_67 = arith.cmpi ne, %convert_element_type3A_65, %cond3A_66 : i32
      scf.if %cond3A_67 {
        %add3A_68 = arith.constant 1 : i32
        %add3A_69 = arith.addi %scan3A_34, %add3A_68 : i32
        %lt3A_70 = arith.constant 40 : i32
        %lt3A_71 = arith.cmpi slt, %add3A_69, %lt3A_70 : i32
        %convert_element_type3A_72 = arith.extui %lt3A_71 : i1 to i32
        %cond3A_73 = arith.constant 0 : i32
        %cond3A_74 = arith.cmpi ne, %convert_element_type3A_72, %cond3A_73 : i32
        scf.if %cond3A_74 {
          %add3A_80 = arith.constant 1 : i32
          %add3A_81 = arith.addi %scan3A_34, %add3A_80 : i32
          %dma_start3A_82 = arith.constant 0 : i32
          %dma_start3A_83 = tpu.memref_slice %arg7[%add3A_81, %dma_start3A_82] : memref<40x125xi32, #tpu.memory_space<vmem>> -> memref<1x125xi32, #tpu.memory_space<vmem>>
          %dma_start3A_84 = tpu.memref_squeeze %dma_start3A_83 : memref<1x125xi32, #tpu.memory_space<vmem>> -> memref<125xi32, #tpu.memory_space<vmem>>
          %dma_start3A_85 = arith.constant 0 : i32
          %dma_start3A_86 = arith.constant 0 : i32
          %dma_start3A_87 = tpu.memref_slice %arg4[%dma_start3A_85, %dma_start3A_86] : memref<10240x128xf32, #tpu.memory_space<hbm>> -> memref<10240x128xf32, #tpu.memory_space<hbm>>
          tpu.enqueue_indirect_dma source(%dma_start3A_87 : memref<10240x128xf32, #tpu.memory_space<hbm>>) target(%arg9 : memref<125x128xf32, #tpu.memory_space<vmem>>) offsets(%dma_start3A_84 : memref<125xi32, #tpu.memory_space<vmem>>) semaphore(%arg12 : memref<!tpu.dma_semaphore, #tpu.memory_space<semaphore_mem>>)
        } else {
        }
        %dma_wait3A = arith.constant 0 : i32
        %dma_wait3A_75 = tpu.memref_slice %arg7[%scan3A_34, %dma_wait3A] : memref<40x125xi32, #tpu.memory_space<vmem>> -> memref<1x125xi32, #tpu.memory_space<vmem>>
        %dma_wait3A_76 = tpu.memref_squeeze %dma_wait3A_75 : memref<1x125xi32, #tpu.memory_space<vmem>> -> memref<125xi32, #tpu.memory_space<vmem>>
        %dma_wait3A_77 = arith.constant 0 : i32
        %dma_wait3A_78 = arith.constant 0 : i32
        %dma_wait3A_79 = tpu.memref_slice %arg4[%dma_wait3A_77, %dma_wait3A_78] : memref<10240x128xf32, #tpu.memory_space<hbm>> -> memref<10240x128xf32, #tpu.memory_space<hbm>>
        tpu.wait_indirect_dma semaphore(%arg13 : memref<!tpu.dma_semaphore, #tpu.memory_space<semaphore_mem>>) src(%dma_wait3A_79 : memref<10240x128xf32, #tpu.memory_space<hbm>>) dst(%arg10 : memref<125x128xf32, #tpu.memory_space<vmem>>)
        "tpu.region"() ({
          %run_scoped3A = tpu.sem_alloc : memref<!tpu.dma_semaphore, #tpu.memory_space<semaphore_mem>>
          %dma_start3A_80 = arith.constant 0 : i32
          %dma_start3A_81 = tpu.memref_slice %arg8[%scan3A_34, %dma_start3A_80] : memref<40x125xi32, #tpu.memory_space<vmem>> -> memref<1x125xi32, #tpu.memory_space<vmem>>
          %dma_start3A_82 = tpu.memref_squeeze %dma_start3A_81 : memref<1x125xi32, #tpu.memory_space<vmem>> -> memref<125xi32, #tpu.memory_space<vmem>>
          %dma_start3A_83 = arith.constant 0 : i32
          %dma_start3A_84 = arith.constant 0 : i32
          %dma_start3A_85 = tpu.memref_slice %arg11[%dma_start3A_83, %dma_start3A_84] : memref<10240x128xf32, #tpu.memory_space<vmem_shared>> -> memref<10240x128xf32, #tpu.memory_space<vmem_shared>>
          tpu.enqueue_indirect_dma source(%arg10 : memref<125x128xf32, #tpu.memory_space<vmem>>) target(%dma_start3A_85 : memref<10240x128xf32, #tpu.memory_space<vmem_shared>>) offsets(%dma_start3A_82 : memref<125xi32, #tpu.memory_space<vmem>>) semaphore(%run_scoped3A : memref<!tpu.dma_semaphore, #tpu.memory_space<semaphore_mem>>) {add = true}
          %dma_wait3A_86 = arith.constant 0 : i32
          %dma_wait3A_87 = tpu.memref_slice %arg8[%scan3A_34, %dma_wait3A_86] : memref<40x125xi32, #tpu.memory_space<vmem>> -> memref<1x125xi32, #tpu.memory_space<vmem>>
          %dma_wait3A_88 = tpu.memref_squeeze %dma_wait3A_87 : memref<1x125xi32, #tpu.memory_space<vmem>> -> memref<125xi32, #tpu.memory_space<vmem>>
          %dma_wait3A_89 = arith.constant 0 : i32
          %dma_wait3A_90 = arith.constant 0 : i32
          %dma_wait3A_91 = tpu.memref_slice %arg11[%dma_wait3A_89, %dma_wait3A_90] : memref<10240x128xf32, #tpu.memory_space<vmem_shared>> -> memref<10240x128xf32, #tpu.memory_space<vmem_shared>>
          tpu.wait_indirect_dma semaphore(%run_scoped3A : memref<!tpu.dma_semaphore, #tpu.memory_space<semaphore_mem>>) src(%arg10 : memref<125x128xf32, #tpu.memory_space<vmem>>) dst(%dma_wait3A_91 : memref<10240x128xf32, #tpu.memory_space<vmem_shared>>)
          tpu.yield
        }) : () -> ()
      } else {
      }
    }
    %scan3A_28 = arith.constant 40 : i32
    %barrier3A_29 = arith.constant 0 : index
    tpu.barrier barrier_id(%barrier3A_29)
    %mul3A_30 = arith.constant 640 : i32
    %mul3A_31 = arith.muli %arg1, %mul3A_30 : i32
    %mul3A_32 = arith.constant 640 : i32
    %mul3A_33 = arith.muli %arg1, %mul3A_32 : i32
    "tpu.region"() ({
      %run_scoped3A = tpu.sem_alloc : memref<!tpu.dma_semaphore, #tpu.memory_space<semaphore_mem>>
      %dma_start3A_34 = arith.constant 0 : i32
      %dma_start3A_35 = tpu.memref_slice %arg6[%arg0, %mul3A_33, %dma_start3A_34] : memref<2x10240x128xf32, #tpu.memory_space<hbm>> -> memref<1x640x128xf32, #tpu.memory_space<hbm>>
      %dma_start3A_36 = tpu.memref_squeeze %dma_start3A_35 : memref<1x640x128xf32, #tpu.memory_space<hbm>> -> memref<640x128xf32, #tpu.memory_space<hbm>>
      %dma_start3A_37 = arith.constant 0 : i32
      %dma_start3A_38 = tpu.memref_slice %arg11[%mul3A_31, %dma_start3A_37] : memref<10240x128xf32, #tpu.memory_space<vmem_shared>> -> memref<640x128xf32, #tpu.memory_space<vmem_shared>>
      tpu.enqueue_dma source(%dma_start3A_38 : memref<640x128xf32, #tpu.memory_space<vmem_shared>>) target(%dma_start3A_36 : memref<640x128xf32, #tpu.memory_space<hbm>>) target_semaphore(%run_scoped3A : memref<!tpu.dma_semaphore, #tpu.memory_space<semaphore_mem>>)
      %dma_wait3A = arith.constant 0 : i32
      %dma_wait3A_39 = tpu.memref_slice %arg6[%arg0, %mul3A_33, %dma_wait3A] : memref<2x10240x128xf32, #tpu.memory_space<hbm>> -> memref<1x640x128xf32, #tpu.memory_space<hbm>>
      %dma_wait3A_40 = tpu.memref_squeeze %dma_wait3A_39 : memref<1x640x128xf32, #tpu.memory_space<hbm>> -> memref<640x128xf32, #tpu.memory_space<hbm>>
      %dma_wait3A_41 = arith.constant 0 : i32
      %dma_wait3A_42 = tpu.memref_slice %arg11[%mul3A_31, %dma_wait3A_41] : memref<10240x128xf32, #tpu.memory_space<vmem_shared>> -> memref<640x128xf32, #tpu.memory_space<vmem_shared>>
      tpu.wait_dma2 semaphore(%run_scoped3A : memref<!tpu.dma_semaphore, #tpu.memory_space<semaphore_mem>>) src(%dma_wait3A_42 : memref<640x128xf32, #tpu.memory_space<vmem_shared>>) dst(%dma_wait3A_40 : memref<640x128xf32, #tpu.memory_space<hbm>>)
      tpu.yield
    }) : () -> ()
    return
  }
}

module attributes {stable_mosaic.version = 14 : i64} {
  func.func @_mm_body(%arg0: i32, %arg1: memref<2048x128xf32, #tpu.memory_space<vmem>>, %arg2: memref<128x128xf32, #tpu.memory_space<vmem>>, %arg3: memref<2048x128xf32, #tpu.memory_space<vmem>>) attributes {dimension_semantics = [#tpu.dimension_semantics<arbitrary>], iteration_bounds = array<i64: 5>, scalar_prefetch = 0 : i64, scratch_operands = 0 : i64, tpu.core_type = #tpu.core_type<tc>, window_params = [{transform_indices = @transform_0, window_bounds = array<i64: 2048, 128>}, {pipeline_mode = #tpu.pipeline_mode<synchronous>, transform_indices = @transform_1, window_bounds = array<i64: 128, 128>}, {transform_indices = @transform_2, window_bounds = array<i64: 2048, 128>}]} {
    %get3A = arith.constant 0 : index
    %get3A_0 = arith.constant 0 : index
    %get3A_1 = vector.load %arg1[%get3A, %get3A_0] : memref<2048x128xf32, #tpu.memory_space<vmem>>, vector<2048x128xf32>
    %get3A_2 = arith.constant 0 : index
    %get3A_3 = arith.constant 0 : index
    %get3A_4 = vector.load %arg2[%get3A_2, %get3A_3] : memref<128x128xf32, #tpu.memory_space<vmem>>, vector<128x128xf32>
    %dot_general3A = arith.constant dense<0.000000e+00> : vector<2048x128xf32>
    %dot_general3A_5 = tpu.matmul %get3A_1, %get3A_4, %dot_general3A {dimension_numbers = #tpu.dot_dimension_numbers<[1], [0], [0], [1], [0, 0, 1, 1], [], []>, transpose_lhs_hint = false} : vector<2048x128xf32>, vector<128x128xf32>, vector<2048x128xf32> -> vector<2048x128xf32>
    %swap3A = arith.constant 0 : index
    %swap3A_6 = arith.constant 0 : index
    %swap3A_7 = vector.load %arg3[%swap3A, %swap3A_6] : memref<2048x128xf32, #tpu.memory_space<vmem>>, vector<2048x128xf32>
    tpu.vector_store %arg3[%swap3A, %swap3A_6], %dot_general3A_5 {strides = array<i32>} : memref<2048x128xf32, #tpu.memory_space<vmem>>, vector<2048x128xf32>,
    return
  }
  func.func @transform_0(%arg0: i32) -> (i32, i32) {
    %c0_i32 = arith.constant 0 : i32
    %c0_i32_0 = arith.constant 0 : i32
    return %arg0, %c0_i32 : i32, i32
  }
  func.func @transform_1(%arg0: i32) -> (i32, i32) {
    %c0_i32 = arith.constant 0 : i32
    %c0_i32_0 = arith.constant 0 : i32
    %c0_i32_1 = arith.constant 0 : i32
    return %c0_i32, %c0_i32_0 : i32, i32
  }
  func.func @transform_2(%arg0: i32) -> (i32, i32) {
    %c0_i32 = arith.constant 0 : i32
    %c0_i32_0 = arith.constant 0 : i32
    return %arg0, %c0_i32 : i32, i32
  }
}

module attributes {stable_mosaic.version = 14 : i64} {
  func.func @_scale_body(%arg0: i32, %arg1: memref<2048x128xf32, #tpu.memory_space<vmem>>, %arg2: memref<2x2048x128xf32, #tpu.memory_space<vmem>>, %arg3: memref<2048x128xf32, #tpu.memory_space<vmem>>) attributes {dimension_semantics = [#tpu.dimension_semantics<arbitrary>], iteration_bounds = array<i64: 5>, scalar_prefetch = 0 : i64, scratch_operands = 0 : i64, tpu.core_type = #tpu.core_type<tc>, window_params = [{transform_indices = @transform_0, window_bounds = array<i64: 2048, 128>}, {transform_indices = @transform_1, window_bounds = array<i64: 2, 2048, 128>}, {transform_indices = @transform_2, window_bounds = array<i64: 2048, 128>}]} {
    %get3A = arith.constant 0 : index
    %get3A_0 = arith.constant 0 : index
    %get3A_1 = arith.constant 0 : index
    %get3A_2 = vector.load %arg2[%get3A, %get3A_0, %get3A_1] : memref<2x2048x128xf32, #tpu.memory_space<vmem>>, vector<1x2048x1xf32>
    %get3A_3 = vector.shape_cast %get3A_2 : vector<1x2048x1xf32> to vector<2048x1xf32>
    %get3A_4 = arith.constant 1 : index
    %get3A_5 = arith.constant 0 : index
    %get3A_6 = arith.constant 0 : index
    %get3A_7 = vector.load %arg2[%get3A_4, %get3A_5, %get3A_6] : memref<2x2048x128xf32, #tpu.memory_space<vmem>>, vector<1x2048x1xf32>
    %get3A_8 = vector.shape_cast %get3A_7 : vector<1x2048x1xf32> to vector<2048x1xf32>
    %add3A = arith.addf %get3A_3, %get3A_8 : vector<2048x1xf32>
    %add3A_9 = arith.constant 1.000000e+00 : f32
    %add3A_10 = vector.broadcast %add3A_9 : f32 to vector<2048x1xf32>
    %add3A_11 = arith.addf %add3A, %add3A_10 : vector<2048x1xf32>
    %get3A_12 = arith.constant 0 : index
    %get3A_13 = arith.constant 0 : index
    %get3A_14 = vector.load %arg1[%get3A_12, %get3A_13] : memref<2048x128xf32, #tpu.memory_space<vmem>>, vector<2048x128xf32>
    %rsqrt3A = math.rsqrt %add3A_11 : vector<2048x1xf32>
    %mul3A = vector.broadcast %rsqrt3A : vector<2048x1xf32> to vector<2048x128xf32>
    %mul3A_15 = arith.mulf %get3A_14, %mul3A : vector<2048x128xf32>
    %swap3A = arith.constant 0 : index
    %swap3A_16 = arith.constant 0 : index
    %swap3A_17 = vector.load %arg3[%swap3A, %swap3A_16] : memref<2048x128xf32, #tpu.memory_space<vmem>>, vector<2048x128xf32>
    tpu.vector_store %arg3[%swap3A, %swap3A_16], %mul3A_15 {strides = array<i32>} : memref<2048x128xf32, #tpu.memory_space<vmem>>, vector<2048x128xf32>,
    return
  }
  func.func @transform_0(%arg0: i32) -> (i32, i32) {
    %c0_i32 = arith.constant 0 : i32
    %c0_i32_0 = arith.constant 0 : i32
    return %arg0, %c0_i32 : i32, i32
  }
  func.func @transform_1(%arg0: i32) -> (i32, i32, i32) {
    %c0_i32 = arith.constant 0 : i32
    %c0_i32_0 = arith.constant 0 : i32
    %c0_i32_1 = arith.constant 0 : i32
    return %c0_i32, %arg0, %c0_i32_0 : i32, i32, i32
  }
  func.func @transform_2(%arg0: i32) -> (i32, i32) {
    %c0_i32 = arith.constant 0 : i32
    %c0_i32_0 = arith.constant 0 : i32
    return %arg0, %c0_i32 : i32, i32
  }
}

module attributes {stable_mosaic.version = 14 : i64} {
  func.func @_fin_body(%arg0: i32, %arg1: memref<2x2048x128xf32, #tpu.memory_space<vmem>>, %arg2: memref<2048x128xf32, #tpu.memory_space<vmem>>, %arg3: memref<2x2048x128xf32, #tpu.memory_space<vmem>>, %arg4: memref<1x128xf32, #tpu.memory_space<vmem>>, %arg5: memref<2048x128xf32, #tpu.memory_space<vmem>>) attributes {dimension_semantics = [#tpu.dimension_semantics<arbitrary>], iteration_bounds = array<i64: 5>, scalar_prefetch = 0 : i64, scratch_operands = 0 : i64, tpu.core_type = #tpu.core_type<tc>, window_params = [{transform_indices = @transform_0, window_bounds = array<i64: 2, 2048, 128>}, {transform_indices = @transform_1, window_bounds = array<i64: 2048, 128>}, {transform_indices = @transform_2, window_bounds = array<i64: 2, 2048, 128>}, {pipeline_mode = #tpu.pipeline_mode<synchronous>, transform_indices = @transform_3, window_bounds = array<i64: 1, 128>}, {transform_indices = @transform_4, window_bounds = array<i64: 2048, 128>}]} {
    %get3A = arith.constant 0 : index
    %get3A_0 = arith.constant 0 : index
    %get3A_1 = arith.constant 0 : index
    %get3A_2 = vector.load %arg3[%get3A, %get3A_0, %get3A_1] : memref<2x2048x128xf32, #tpu.memory_space<vmem>>, vector<1x2048x1xf32>
    %get3A_3 = vector.shape_cast %get3A_2 : vector<1x2048x1xf32> to vector<2048x1xf32>
    %get3A_4 = arith.constant 1 : index
    %get3A_5 = arith.constant 0 : index
    %get3A_6 = arith.constant 0 : index
    %get3A_7 = vector.load %arg3[%get3A_4, %get3A_5, %get3A_6] : memref<2x2048x128xf32, #tpu.memory_space<vmem>>, vector<1x2048x1xf32>
    %get3A_8 = vector.shape_cast %get3A_7 : vector<1x2048x1xf32> to vector<2048x1xf32>
    %add3A = arith.addf %get3A_3, %get3A_8 : vector<2048x1xf32>
    %add3A_9 = arith.constant 1.000000e+00 : f32
    %add3A_10 = vector.broadcast %add3A_9 : f32 to vector<2048x1xf32>
    %add3A_11 = arith.addf %add3A, %add3A_10 : vector<2048x1xf32>
    %get3A_12 = arith.constant 0 : index
    %get3A_13 = arith.constant 0 : index
    %get3A_14 = arith.constant 0 : index
    %get3A_15 = vector.load %arg1[%get3A_12, %get3A_13, %get3A_14] : memref<2x2048x128xf32, #tpu.memory_space<vmem>>, vector<1x2048x128xf32>
    %get3A_16 = vector.shape_cast %get3A_15 : vector<1x2048x128xf32> to vector<2048x128xf32>
    %get3A_17 = arith.constant 1 : index
    %get3A_18 = arith.constant 0 : index
    %get3A_19 = arith.constant 0 : index
    %get3A_20 = vector.load %arg1[%get3A_17, %get3A_18, %get3A_19] : memref<2x2048x128xf32, #tpu.memory_space<vmem>>, vector<1x2048x128xf32>
    %get3A_21 = vector.shape_cast %get3A_20 : vector<1x2048x128xf32> to vector<2048x128xf32>
    %add3A_22 = arith.addf %get3A_16, %get3A_21 : vector<2048x128xf32>
    %get3A_23 = arith.constant 0 : index
    %get3A_24 = arith.constant 0 : index
    %get3A_25 = vector.load %arg2[%get3A_23, %get3A_24] : memref<2048x128xf32, #tpu.memory_space<vmem>>, vector<2048x128xf32>
    %add3A_26 = arith.addf %add3A_22, %get3A_25 : vector<2048x128xf32>
    %rsqrt3A = math.rsqrt %add3A_11 : vector<2048x1xf32>
    %mul3A = vector.broadcast %rsqrt3A : vector<2048x1xf32> to vector<2048x128xf32>
    %mul3A_27 = arith.mulf %add3A_26, %mul3A : vector<2048x128xf32>
    %get3A_28 = arith.constant 0 : index
    %get3A_29 = arith.constant 0 : index
    %get3A_30 = vector.load %arg4[%get3A_28, %get3A_29] : memref<1x128xf32, #tpu.memory_space<vmem>>, vector<1x128xf32>
    %add3A_31 = vector.broadcast %get3A_30 : vector<1x128xf32> to vector<2048x128xf32>
    %add3A_32 = arith.addf %mul3A_27, %add3A_31 : vector<2048x128xf32>
    %max3A = arith.constant 0.000000e+00 : f32
    %max3A_33 = vector.broadcast %max3A : f32 to vector<2048x128xf32>
    %max3A_34 = arith.maximumf %add3A_32, %max3A_33 : vector<2048x128xf32>
    %swap3A = arith.constant 0 : index
    %swap3A_35 = arith.constant 0 : index
    %swap3A_36 = vector.load %arg5[%swap3A, %swap3A_35] : memref<2048x128xf32, #tpu.memory_space<vmem>>, vector<2048x128xf32>
    tpu.vector_store %arg5[%swap3A, %swap3A_35], %max3A_34 {strides = array<i32>} : memref<2048x128xf32, #tpu.memory_space<vmem>>, vector<2048x128xf32>,
    return
  }
  func.func @transform_0(%arg0: i32) -> (i32, i32, i32) {
    %c0_i32 = arith.constant 0 : i32
    %c0_i32_0 = arith.constant 0 : i32
    %c0_i32_1 = arith.constant 0 : i32
    return %c0_i32, %arg0, %c0_i32_0 : i32, i32, i32
  }
  func.func @transform_1(%arg0: i32) -> (i32, i32) {
    %c0_i32 = arith.constant 0 : i32
    %c0_i32_0 = arith.constant 0 : i32
    return %arg0, %c0_i32 : i32, i32
  }
  func.func @transform_2(%arg0: i32) -> (i32, i32, i32) {
    %c0_i32 = arith.constant 0 : i32
    %c0_i32_0 = arith.constant 0 : i32
    %c0_i32_1 = arith.constant 0 : i32
    return %c0_i32, %arg0, %c0_i32_0 : i32, i32, i32
  }
  func.func @transform_3(%arg0: i32) -> (i32, i32) {
    %c0_i32 = arith.constant 0 : i32
    %c0_i32_0 = arith.constant 0 : i32
    %c0_i32_1 = arith.constant 0 : i32
    return %c0_i32, %c0_i32_0 : i32, i32
  }
  func.func @transform_4(%arg0: i32) -> (i32, i32) {
    %c0_i32 = arith.constant 0 : i32
    %c0_i32_0 = arith.constant 0 : i32
    return %arg0, %c0_i32 : i32, i32
  }
}

</mosaic_0001>

<sc_bundles>
// kernel: kernel.10.cloned.1.call-start
scs
__scs_entry_jumppad:
0x0: {  	(pc) =	sbr.rel $0x88, $3  }
0x1: {  	(tag) =	ssettag $0x0;
	lr =	simm.s32 $0x1  }
0x2: {  	[smem:$0x3F9D] =	sst lr;
	_ =	strace $0xD0000000  }
0x3: {  	_ = 	snop  }
0x4: {  	_ = 	snop  }
0x5: {  	_ = 	snop  }
0x6: {  	_ = 	snop  }
0x7: {  	_ = 	snop  }
__scs_overlays_trampoline_lowered:
0x8: {  	[smem:$0x3FAC] =	sst s0  }
0x9: {  	[smem:$0x3FAD] =	sst s1  }
0xa: {  	[smem:$0x3FAE] =	sst s2  }
0xb: {  	[smem:$0x3FAF] =	sst s3  }
0xc: {  	[smem:$0x3FB0] =	sst s4  }
0xd: {  	[smem:$0x3FB1] =	sst s5  }
0xe: {  	[smem:$0x3FB2] =	sst s6  }
0xf: {  	[smem:$0x3FB3] =	sst s7  }
0x10: {  	[smem:$0x3FB4] =	sst s8  }
0x11: {  	[smem:$0x3FB5] =	sst s9;
	s0 =	simm.s32 @!p0 $0x0  }
0x12: {  	s1 =	sld [smem:$0x3F9B];
	s0 =	simm.s32 @p0 $0x1  }
0x13: {  	[smem:$0x3FB6] =	sst s0;
	s0 =	simm.s32 @!p1 $0x0  }
0x14: {  	s2 =	sld [smem:$0x3F9A];
	s0 =	simm.s32 @p1 $0x1  }
0x15: {  	[smem:$0x3FB7] =	sst s0;
	s0 =	simm.s32 @!p2 $0x0  }
0x16: {  	s3 =	sld [smem:$0x3FDB];
	s0 =	simm.s32 @p2 $0x1  }
0x17: {  	s4 =	simm.s32 $0x1BF5;
	[smem:$0x3FB9] =	sst s0  }
0x18: {  	s0 =	sld [smem:$0x3F9C];
	_ =	swait.ge [sflag:s4], $0x0  }
0x19: {  	s7 =	sld [smem:$0x3F9D]  }
0x1a: {  	s8 =	sadd.s32 $0xFFFFE003, lr  }
0x1b: {  	s9 =	sadd.s32 $0xFFFFFEF7, lr;
	s5 =	simm.s32 $0xFFFFFFFF;
	p2 =	slt.u32 s8, $0xFFFFF086  }
0x1c: {  	p1 =	slt.u32 s9, $0xF7A;
	s5 =	simm.s32 @!p2 $0x0  }
0x1d: {  	s5 =	simm.s32 @p1 $0x1;
	p0 =	seq.s32 s7, s2  }
0x1e: {  	s7 =	smul.u32 @!p0 $0xF7A, s2;
	p2 =	seq.s32 @!p0 s5, $0x0  }
0x1f: {  	s9 =	smul.u32 $0xF7A, s1;
	s8 =	simm.s32 @!p0 $0x1BF5;
	p2 =	por !p2, p0  }
0x20: {  	[sflag:s8] =	ssyncset.s32 @!p0 $0xFFFFF086;
	s6 =	sadd.s32 @!p0 s3, s7;
	s7 =	simm.s32 @!p0 $0x108  }
0x21: {  	s3 =	sadd.s32 s3, s9;
	s6 =	sadd.s32 @!p0 $0x88, s6;
	s7 =	simm.s32 @p2 $0x1082  }
0x22: {  	[simem:s7], [sflag:s8] =	dma.local @!p0 [hbm:s6], $0xF7A  }
0x23: {  	s9 =	sor.u32 $0xD0000000, s2;
	s6 =	simm.s32 $0x108;
	_ =	swait.ge @!p0 [sflag:s8], $0x0  }
0x24: {  	s3 =	sadd.s32 $0x88, s3;
	s6 =	simm.s32 @!p1 $0x1082;
	[sflag:s4] =	ssyncset.s32 $0xFFFFF086  }
0x25: {  	[simem:s6], [sflag:s4] =	dma.local [hbm:s3], $0xF7A  }
0x26: {  	[smem:$0x3F9D] =	sst s1;
	(tag) =	ssettag s2;
	_ =	strace s9  }
0x27: {  	s1 =	sld [smem:$0x3FAD]  }
0x28: {  	s2 =	sld [smem:$0x3FAE]  }
0x29: {  	s4 =	sld [smem:$0x3FB0]  }
0x2a: {  	p0 =	seq.s32 s5, $0x0;
	s5 =	sld [smem:$0x3FB1]  }
0x2b: {  	s6 =	sld [smem:$0x3FB2]  }
0x2c: {  	s7 =	sld [smem:$0x3FB3]  }
0x2d: {  	s3 =	simm.s32 $0x108;
	s8 =	sld [smem:$0x3FB4]  }
0x2e: {  	s3 =	simm.s32 @!p0 $0x1082;
	s9 =	sld [smem:$0x3FB5]  }
0x2f: {  	lr =	sadd.s32 s0, s3;
	s0 =	sld [smem:$0x3FAC]  }
0x30: {  	s3 =	sld [smem:$0x3FAF]  }
0x31: {  	[smem:$0x3FB8] =	sst s10  }
0x32: {  	s10 =	sld [smem:$0x3FB6];
	_ =	sdelay $0x3  }
0x33: {  	p0 =	seq.s32 s10, $0x1;
	s10 =	sld [smem:$0x3FB8];
	_ =	sdelay $0x3  }
0x34: {  	[smem:$0x3FB8] =	sst s10  }
0x35: {  	s10 =	sld [smem:$0x3FB7];
	_ =	sdelay $0x3  }
0x36: {  	p1 =	seq.s32 s10, $0x1;
	s10 =	sld [smem:$0x3FB8];
	_ =	sdelay $0x3  }
0x37: {  	[smem:$0x3FB8] =	sst s10  }
0x38: {  	s10 =	sld [smem:$0x3FB9]  }
0x39: {  	_ = 	snop;
	(pc) =	sbr.ind lr, $3  }
0x3a: {  	_ = 	snop  }
0x3b: {  	_ = 	snop  }
0x3c: {  	p2 =	seq.s32 s10, $0x1;
	s10 =	sld [smem:$0x3FB8]  }
0x3d: {  	_ =	shalt  }
0x3e: {  	_ =	shalt  }
0x3f: {  	_ =	shalt  }
0x40: {  	_ =	shalt  }
0x41: {  	_ =	shalt  }
0x42: {  	_ =	shalt  }
0x43: {  	_ =	shalt  }
0x44: {  	_ =	shalt  }
0x45: {  	_ =	shalt  }
0x46: {  	_ =	shalt  }
0x47: {  	_ =	shalt  }
0x48: {  	_ =	shalt  }
0x49: {  	_ =	shalt  }
0x4a: {  	_ =	shalt  }
0x4b: {  	_ =	shalt  }
0x4c: {  	_ =	shalt  }
0x4d: {  	_ =	shalt  }
0x4e: {  	_ =	shalt  }
0x4f: {  	_ =	shalt  }
0x50: {  	_ =	shalt  }
0x51: {  	_ =	shalt  }
0x52: {  	_ =	shalt  }
0x53: {  	_ =	shalt  }
0x54: {  	_ =	shalt  }
0x55: {  	_ =	shalt  }
0x56: {  	_ =	shalt  }
0x57: {  	_ =	shalt  }
0x58: {  	_ =	shalt  }
0x59: {  	_ =	shalt  }
0x5a: {  	_ =	shalt  }
0x5b: {  	_ =	shalt  }
0x5c: {  	_ =	shalt  }
0x5d: {  	_ =	shalt  }
0x5e: {  	_ =	shalt  }
0x5f: {  	_ =	shalt  }
0x60: {  	_ =	shalt  }
0x61: {  	_ =	shalt  }
0x62: {  	_ =	shalt  }
0x63: {  	_ =	shalt  }
0x64: {  	_ =	shalt  }
0x65: {  	_ =	shalt  }
0x66: {  	_ =	shalt  }
0x67: {  	_ =	shalt  }
0x68: {  	_ =	shalt  }
0x69: {  	_ =	shalt  }
0x6a: {  	_ =	shalt  }
0x6b: {  	_ =	shalt  }
0x6c: {  	_ =	shalt  }
0x6d: {  	_ =	shalt  }
0x6e: {  	_ =	shalt  }
0x6f: {  	_ =	shalt  }
0x70: {  	_ =	shalt  }
0x71: {  	_ =	shalt  }
0x72: {  	_ =	shalt  }
0x73: {  	_ =	shalt  }
0x74: {  	_ =	shalt  }
0x75: {  	_ =	shalt  }
0x76: {  	_ =	shalt  }
0x77: {  	_ =	shalt  }
0x78: {  	_ =	shalt  }
0x79: {  	_ =	shalt  }
0x7a: {  	_ =	shalt  }
0x7b: {  	_ =	shalt  }
0x7c: {  	_ =	shalt  }
0x7d: {  	_ =	shalt  }
0x7e: {  	_ =	shalt  }
0x7f: {  	_ =	shalt  }
0x80: {  	_ =	shalt  }
0x81: {  	_ =	shalt  }
0x82: {  	_ =	shalt  }
0x83: {  	_ =	shalt  }
0x84: {  	_ =	shalt  }
0x85: {  	_ =	shalt  }
0x86: {  	_ =	shalt  }
0x87: {  	_ =	shalt  }
.Lfunc_end0:
.L_simem_size_0:
called_computation.1_lowered:
.L_overlay_start_0:
0x88: {  	s2 =	sld [smem:$0x3FD9]  }
0x89: {  	s3 =	sld [smem:$0x3FFE];
	_ =	sdelay $0x1  }
0x8a: {  	s1 =	srdreg.scid  }
0x8b: {  	s0 =	sand.u32 $0x1, s1  }
0x8c: {  	s17 =	sshll.u32 s0, $0xA;
	s2 =	sadd.s32 s3, s2  }
0x8d: {  	s2 =	sadd.s32 s2, s17  }
0x8e: {  	[smem:$0x3FC4] =	sst s2  }
0x8f: {  	_ = 	snop  }
0x90: {  	s2 =	sld [smem:$0x3FD0];
	(tm) =	ssettm $0x1  }
0x91: {  	s18 =	sld [smem:$0x3FFB];
	_ =	sdelay $0x3  }
0x92: {  	_ =	strace s18  }
0x93: {  	s3 =	sld [smem:$0x3FFC];
	_ =	sdelay $0x3  }
0x94: {  	_ =	strace s3  }
0x95: {  	s3 =	sld [smem:$0x3FFD];
	_ =	sdelay $0x3  }
0x96: {  	_ =	strace s3  }
0x97: {  	_ =	strace $0x8FFFFFFF  }
0x98: {  	s19 =	sld [smem:$0x3FDB];
	_ =	sdelay $0x1  }
0x99: {  	s4 =	simm.s32 $_scs_section_size  }
0x9a: {  	s5 =	simm.s32 $_size__tile_overlayer_lowered;
	s6 =	simm.s32 $_tile_overlayer_lowered  }
0x9b: {  	s22 =	simm.s32 $0x1BFF;
	s21 =	sshll.u32 s6, $0x1;
	s3 =	sadd.s32 s4, s19  }
0x9c: {  	s7 =	simm.s32 $0x0;
	s20 =	sshll.u32 s5, $0x1;
	s5 =	sadd.s32 s21, s3  }
0x9d: {  	[timem:s7], [sflag:s22] =	dma.local [hbm:s5], s20  }
0x9e: {  	_ =	swait.ge [sflag:s22], s20  }
0x9f: {  	s4 =	ssub.s32 $0x0, s20;
	[sflag:s22] =	ssyncset.done $0x0  }
0xa0: {  	[sflag:s22] =	ssyncadd.s32 s4;
	_ =	sdelay $0x1  }
0xa1: {  	s23 =	simm.s32 $0x1B8B  }
0xa2: {  	_ =	swait.ge [sflag:s23], $0x1  }
0xa3: {  	[sflag:s23] =	ssyncset.done $0x0  }
0xa4: {  	s25 =	simm.s32 $0x1B8E;
	s24 =	sld [smem:$0x3FFE];
	[sflag:s23] =	ssyncadd.s32 $0xFFFFFFFF  }
0xa5: {  	s26 =	simm.s32 $execute0_lowered;
	[smem:$0x3FD2] =	sst s25  }
0xa6: {  	s5 =	sshll.u32 s26, $0x1;
	_ =	strace $0x80000049;
	[dreg:$0x1] =	wrdreg $0xFFFFFFFF  }
0xa7: {  	s28 =	simm.s32 $_size_execute0_lowered;
	s3 =	sadd.s32 s3, s5;
	[dreg:$0x0] =	wrdreg $0x0  }
0xa8: {  	s5 =	sshll.u32 s28, $0x1;
	[dreg:$0x2] =	wrdreg s3  }
0xa9: {  	[dreg:$0x3] =	wrdreg s5  }
0xaa: {  	[dreg:$0x4] =	wrdreg $0xC0  }
0xab: {  	_ =	task [dreg:s7], $0x5FFFF  }
0xac: {  	[dreg:$0x1] =	wrdreg $0xFFFFFFFF  }
0xad: {  	[dreg:$0x0] =	wrdreg $0x60  }
0xae: {  	[dreg:$0x2] =	wrdreg s2  }
0xaf: {  	[dreg:$0x3] =	wrdreg s24  }
0xb0: {  	[dreg:$0x4] =	wrdreg $0xA8000  }
0xb1: {  	[dreg:$0x5] =	wrdreg $0x9  }
0xb2: {  	_ =	task.clear_ibuf [dreg:s7], $0x6FFFF;
	_ =	strace $0x90000049  }
0xb3: {  	s29 =	simm.s32 $0x9;
	_ =	strace $0x8000004B  }
0xb4: {  	_ =	swait.ge [sflag:s29], $0x1  }
0xb5: {  	[sflag:s29] =	ssyncadd.s32 $0xFFFFFFFF  }
0xb6: {  	_ =	strace $0x9000004B  }
0xb7: {  	_ =	sfence  }
0xb8: {  	s30 =	sld [smem:$0x0];
	_ =	sdelay $0x2  }
0xb9: {  	s31 =	sshll.u32 s1, $0xD;
	s1 =	sshrl.u32 s1, $0x2  }
0xba: {  	s3 =	sand.u32 $0x4000, s31;
	s1 =	sadd.s32 s1, s30  }
0xbb: {  	s0 =	sor.u32 s3, s0;
	s1 =	sshll.u32 s1, $0x11  }
0xbc: {  	s0 =	sor.u32 s1, s0  }
0xbd: {  	s0 =	sadd.s32 $0x8F2B, s0  }
0xbe: {  	[sflag:s0] =	ssyncadd.remote.s32 $0x1  }
0xbf: {  	_ =	sfence.sel $0xFFFF  }
0xc0: {  	[dreg:$0x0] =	wrdreg $0xFFFFFFFF;
	(pc) =	sbr.abs _section_cstart, $3  }
0xc1: {  	[dreg:$0x1] =	wrdreg $0xFFFFFFFF  }
0xc2: {  	_ =	task.clear_ibuf [dreg:s7], $0x2FFFF;
	_ =	strace $0x9FFFFFFF  }
0xc3: {  	(tm) =	ssettm $0x7FFFFFFF  }
tec
execute0_lowered:
.L_overlay_start_1:
0x0: {  	(tag) =	ssettag $0x1  }
0x1: {  	s9 =	rddreg [dreg:$0x0]  }
0x2: {  	s5 =	rddreg [dreg:$0x1]  }
0x3: {  	s2 =	rddreg [dreg:$0x2]  }
0x4: {  	s0 =	rddreg [dreg:$0x3];
	s1 =	stileid.u32  }
0x5: {  	s4 =	srdreg.scid;
	s3 =	simm.s32 $0x0;
	s16 =	simm.s32 $0x2800  }
0x6: {  	s17 =	simm.s32 $0x2;
	s18 =	simm.s32 $0x2780;
	s19 =	simm.s32 $0x6800  }
0x7: {  	s20 =	simm.s32 $0x0;
	s6 =	smul.u32 $0x14000, s1;
	s7 =	sand.u32 $0x1, s4  }
0x8: {  	[smem:$0x7FF] =	sst s3;
	s10 =	sadd.s32 $0x1400, s5;
	s26 =	smul.u32 $0x50000, s1  }
0x9: {  	s4 =	sadd.s32 $0x83C00, s5;
	s30 =	sshll.u32 s1, $0x6;
	s8 =	smul.u32 $0x140000, s7  }
0xa: {  	_ =	strace $0x8000004A;
	s12 =	sshll.u32 s7, $0x4;
	s28 =	ssub.s32 $0x2, s7  }
0xb: {  	s11 =	sshrl.u32 s6, $0x3;
	s29 =	sor.u32 s1, s12;
	s7 =	sshrl.u32 s28, $0x1  }
0xc: {  	s11 =	sadd.s32 s11, s5;
	s6 =	sadd.s32 s6, s8;
	s8 =	sshrl.u32 s26, $0x2  }
0xd: {  	s12 =	smul.u32 $0x2800, s29;
	s14 =	ssub.s32 s28, s7;
	s6 =	sshrl.u32 s6, $0x3  }
0xe: {  	s15 =	sadd.s32 s8, s2;
	s13 =	sadd.s32 s6, s5;
	s5 =	sadd.s32 $0xBC00, s11  }
0xf: {  	s6 =	sor.u32 $0x1C03, s30;
	s31 =	sshrl.u32 s12, $0x3;
	s12 =	smax.u32 s14, $0x1  }
0x10: {  	s14 =	simm.s32 $0x3;
	s7 =	sadd.s32 s9, s31;
	s11 =	sadd.s32 $0x280, s31  }
0x11: {  	s8 =	sadd.s32 s10, s31;
	s9 =	sadd.s32 s9, s11;
	s10 =	sadd.s32 s10, s11  }
0x12: {  	s11 =	sadd.s32 $0xABC00, s13;
	s13 =	sshrl.u32 s15, $0x3;
	s15 =	simm.s32 $0x7D  }
.LBB2_1:
0x13: {  	[spmem:s13], [sflag:s6] =	dma.local [hbm:s5], $0x2800  }
0x14: {  	_ =	swait.ge [sflag:s14], $0x2800  }
0x15: {  	[sflag:s14] =	ssyncset.done $0x0  }
0x16: {  	[sflag:s14] =	ssyncadd.s32 $0xFFFFD800  }
0x17: {  	[bflag:$0x0] =	sbarrier.arrive $0xFFFF  }
0x18: {  	[tilespmem:s3], [sflag:$0x3] =	stream.linear.gather [hbm4b:s7+s3], $0x1400, $0x38;
	[tilespmem:$0x1E800] =	vst v63  }
0x19: {  	_ =	swait.ge [sflag:s14], $0x1400  }
0x1a: {  	[sflag:s14] =	ssyncset.done $0x0  }
0x1b: {  	s21 =	simm.s32 $0x1400;
	[sflag:s14] =	ssyncadd.s32 $0xFFFFEC00  }
0x1c: {  	[tilespmem:s21], [sflag:$0x3] =	stream.linear.gather [hbm4b:s8+s3], $0x1400, $0x38;
	[tilespmem:$0x1E800] =	vst v63  }
0x1d: {  	_ =	swait.ge [sflag:s14], $0x1400  }
0x1e: {  	s22 =	sand.u32 $0x1, s3;
	[sflag:s14] =	ssyncset.done $0x0  }
0x1f: {  	s23 =	simm.s32 $0x80;
	p0 =	seq.s32 s22, $0x1;
	[sflag:s14] =	ssyncadd.s32 $0xFFFFEC00  }
0x20: {  	[tilespmem:s16], [sflag:$0x1] =	stream.indirect.gather [hbm4b:s4+s15], $0x80, s3, s15, $0xb8;
	[tilespmem:$0x1E800] =	vst v63  }
0x21: {  	s22 =	simm.s32 @p0 $0x7D;
	s24 =	simm.s32 @p0 $0x2800;
	s25 =	simm.s32 @p0 $0x2  }
0x22: {  	[tilespmem:s24], [sflag:$0x1] =	stream.indirect.gather @p0 [hbm4b:s4+s22], $0x80, s23, s22, $0xb8;
	[tilespmem:$0x1E800] =	vst v63  }
0x23: {  	_ =	swait.ge @p0 [sflag:s25], $0x3E80  }
0x24: {  	[sflag:s25] =	ssyncset.done @p0 $0x0  }
0x25: {  	s24 =	simm.s32 @p0 $0x6800;
	[sflag:s25] =	ssyncadd.s32 @p0 $0xFFFFC180  }
0x26: {  	[spmem:s2] =	stream.indirect.scatter.add.f32 @p0 [tilespmem:s24], [sflag:$0x3], $0x80, s21, s22, $0xb8;
	[tilespmem:$0x1E800] =	vst v63  }
0x27: {  	s25 =	simm.s32 @!p0 $0x1;
	s22 =	simm.s32 @!p0 $0x7D;
	s24 =	simm.s32 @!p0 $0x6800  }
0x28: {  	[tilespmem:s24], [sflag:$0x2] =	stream.indirect.gather @!p0 [hbm4b:s4+s22], $0x80, s23, s22, $0xb8;
	[tilespmem:$0x1E800] =	vst v63  }
0x29: {  	_ =	swait.ge @!p0 [sflag:s25], $0x3E80  }
0x2a: {  	s26 =	simm.s32 $0x1;
	s24 =	simm.s32 @!p0 $0x4;
	[sflag:s25] =	ssyncset.done @!p0 $0x0  }
0x2b: {  	s23 =	simm.s32 @!p0 $0x2800;
	s24 =	simm.s32 @p0 $0x3;
	[sflag:s25] =	ssyncadd.s32 @!p0 $0xFFFFC180  }
0x2c: {  	[spmem:s2] =	stream.indirect.scatter.add.f32 @!p0 [tilespmem:s23], [sflag:$0x4], $0x80, s21, s22, $0xb8;
	[tilespmem:$0x1E800] =	vst v63  }
0x2d: {  	s25 =	sand.u32 $0x1, s26;
	s23 =	simm.s32 $0x2;
	_ =	swait.ge [sflag:s24], $0x3E80  }
0x2e: {  	s22 =	simm.s32 $0x100;
	s21 =	simm.s32 $0x1480;
	[sflag:s24] =	ssyncset.done $0x0  }
.LBB2_2:
0x2f: {  	p0 =	seq.s32 s25, $0x1  }
0x30: {  	[sflag:s24] =	ssyncadd.s32 $0xFFFFC180;
	s25 =	smov.u32 s23;
	s23 =	sadd.s32 $0x1, s23  }
0x31: {  	s26 =	simm.s32 @p0 $0x7D;
	s24 =	simm.s32 @p0 $0x2800;
	s28 =	simm.s32 @p0 $0x2  }
0x32: {  	[tilespmem:s24], [sflag:$0x1] =	stream.indirect.gather @p0 [hbm4b:s4+s26], $0x80, s22, s26, $0xb8;
	[tilespmem:$0x1E800] =	vst v63  }
0x33: {  	p1 =	sne.s32 s23, $0x27;
	s24 =	simm.s32 @!p0 $0x4;
	_ =	swait.ge @p0 [sflag:s28], $0x3E80  }
0x34: {  	[sflag:s28] =	ssyncset.done @p0 $0x0  }
0x35: {  	[sflag:s28] =	ssyncadd.s32 @p0 $0xFFFFC180;
	s28 =	simm.s32 @p0 $0x6800  }
0x36: {  	[spmem:s2] =	stream.indirect.scatter.add.f32 @p0 [tilespmem:s28], [sflag:$0x3], $0x80, s21, s26, $0xb8;
	[tilespmem:$0x1E800] =	vst v63  }
0x37: {  	s29 =	simm.s32 @!p0 $0x1;
	s26 =	simm.s32 @!p0 $0x7D;
	s28 =	simm.s32 @!p0 $0x6800  }
0x38: {  	[tilespmem:s28], [sflag:$0x2] =	stream.indirect.gather @!p0 [hbm4b:s4+s26], $0x80, s22, s26, $0xb8;
	[tilespmem:$0x1E800] =	vst v63  }
0x39: {  	_ =	swait.ge @!p0 [sflag:s29], $0x3E80  }
.Ltmp0:
0x3a: {  	[sflag:s29] =	ssyncset.done @!p0 $0x0;
	(pc) =	sbr.rel @p1 .LBB2_2-.Ltmp0, $4  }
0x3b: {  	s24 =	simm.s32 @p0 $0x3;
	s28 =	simm.s32 @!p0 $0x2800;
	[sflag:s29] =	ssyncadd.s32 @!p0 $0xFFFFC180  }
0x3c: {  	[spmem:s2] =	stream.indirect.scatter.add.f32 @!p0 [tilespmem:s28], [sflag:$0x4], $0x80, s21, s26, $0xb8;
	[tilespmem:$0x1E800] =	vst v63  }
0x3d: {  	s22 =	sadd.s32 $0x80, s22;
	_ =	swait.ge [sflag:s24], $0x3E80  }
0x3e: {  	s25 =	sand.u32 $0x1, s25;
	s21 =	sadd.s32 $0x80, s21;
	[sflag:s24] =	ssyncset.done $0x0  }
0x3f: {  	p0 =	seq.s32 s25, $0x1;
	[sflag:s24] =	ssyncadd.s32 $0xFFFFC180  }
0x40: {  	s23 =	simm.s32 @p0 $0x7D;
	s24 =	simm.s32 @p0 $0x2800;
	s25 =	simm.s32 @p0 $0x2  }
0x41: {  	[tilespmem:s24], [sflag:$0x1] =	stream.indirect.gather @p0 [hbm4b:s4+s23], $0x80, s22, s23, $0xb8;
	[tilespmem:$0x1E800] =	vst v63  }
0x42: {  	_ =	swait.ge @p0 [sflag:s25], $0x3E80  }
0x43: {  	[sflag:s25] =	ssyncset.done @p0 $0x0  }
0x44: {  	s24 =	simm.s32 @p0 $0x6800;
	[sflag:s25] =	ssyncadd.s32 @p0 $0xFFFFC180  }
0x45: {  	[spmem:s2] =	stream.indirect.scatter.add.f32 @p0 [tilespmem:s24], [sflag:$0x3], $0x80, s21, s23, $0xb8;
	[tilespmem:$0x1E800] =	vst v63  }
0x46: {  	s25 =	simm.s32 @!p0 $0x1;
	s23 =	simm.s32 @!p0 $0x7D;
	s24 =	simm.s32 @!p0 $0x6800  }
0x47: {  	[tilespmem:s24], [sflag:$0x2] =	stream.indirect.gather @!p0 [hbm4b:s4+s23], $0x80, s22, s23, $0xb8;
	[tilespmem:$0x1E800] =	vst v63  }
0x48: {  	_ =	swait.ge @!p0 [sflag:s25], $0x3E80  }
0x49: {  	s22 =	simm.s32 @!p0 $0x4;
	[sflag:s25] =	ssyncset.done @!p0 $0x0  }
0x4a: {  	s24 =	simm.s32 @!p0 $0x2800;
	s22 =	simm.s32 @p0 $0x3;
	[sflag:s25] =	ssyncadd.s32 @!p0 $0xFFFFC180  }
0x4b: {  	[spmem:s2] =	stream.indirect.scatter.add.f32 @!p0 [tilespmem:s24], [sflag:$0x4], $0x80, s21, s23, $0xb8;
	[tilespmem:$0x1E800] =	vst v63  }
0x4c: {  	_ =	swait.ge [sflag:s22], $0x3E80  }
0x4d: {  	[sflag:s22] =	ssyncset.done $0x0  }
0x4e: {  	[sflag:s22] =	ssyncadd.s32 $0xFFFFC180  }
0x4f: {  	_ =	swait.ge [sflag:s17], $0x3E80  }
0x50: {  	[sflag:s17] =	ssyncset.done $0x0  }
0x51: {  	[sflag:s17] =	ssyncadd.s32 $0xFFFFC180  }
0x52: {  	[spmem:s2] =	stream.indirect.scatter.add.f32 [tilespmem:s19], [sflag:$0x3], $0x80, s18, s15, $0xb8;
	[tilespmem:$0x1E800] =	vst v63  }
0x53: {  	_ =	swait.ge [sflag:s14], $0x3E80  }
0x54: {  	[sflag:s14] =	ssyncset.done $0x0  }
0x55: {  	s31 =	simm.s32 $0x0;
	[sflag:s14] =	ssyncadd.s32 $0xFFFFC180  }
0x56: {  	[tilespmem:s31], [sflag:$0x3] =	stream.linear.gather [hbm4b:s9+s31], $0x1400, $0x38;
	[tilespmem:$0x1E800] =	vst v63  }
0x57: {  	_ =	swait.ge [sflag:s14], $0x1400  }
0x58: {  	[sflag:s14] =	ssyncset.done $0x0  }
0x59: {  	s22 =	simm.s32 $0x1400;
	[sflag:s14] =	ssyncadd.s32 $0xFFFFEC00  }
0x5a: {  	[tilespmem:s22], [sflag:$0x3] =	stream.linear.gather [hbm4b:s10+s31], $0x1400, $0x38;
	[tilespmem:$0x1E800] =	vst v63  }
0x5b: {  	_ =	swait.ge [sflag:s14], $0x1400  }
0x5c: {  	s21 =	sand.u32 $0x1, s31;
	[sflag:s14] =	ssyncset.done $0x0  }
0x5d: {  	s23 =	simm.s32 $0x80;
	p0 =	seq.s32 s21, $0x1;
	[sflag:s14] =	ssyncadd.s32 $0xFFFFEC00  }
0x5e: {  	[tilespmem:s16], [sflag:$0x1] =	stream.indirect.gather [hbm4b:s4+s15], $0x80, s31, s15, $0xb8;
	[tilespmem:$0x1E800] =	vst v63  }
0x5f: {  	s21 =	simm.s32 @p0 $0x7D;
	s24 =	simm.s32 @p0 $0x2800;
	s25 =	simm.s32 @p0 $0x2  }
0x60: {  	[tilespmem:s24], [sflag:$0x1] =	stream.indirect.gather @p0 [hbm4b:s4+s21], $0x80, s23, s21, $0xb8;
	[tilespmem:$0x1E800] =	vst v63  }
0x61: {  	_ =	swait.ge @p0 [sflag:s25], $0x3E80  }
0x62: {  	[sflag:s25] =	ssyncset.done @p0 $0x0  }
0x63: {  	s24 =	simm.s32 @p0 $0x6800;
	[sflag:s25] =	ssyncadd.s32 @p0 $0xFFFFC180  }
0x64: {  	[spmem:s2] =	stream.indirect.scatter.add.f32 @p0 [tilespmem:s24], [sflag:$0x3], $0x80, s22, s21, $0xb8;
	[tilespmem:$0x1E800] =	vst v63  }
0x65: {  	s25 =	simm.s32 @!p0 $0x1;
	s21 =	simm.s32 @!p0 $0x7D;
	s24 =	simm.s32 @!p0 $0x6800  }
0x66: {  	[tilespmem:s24], [sflag:$0x2] =	stream.indirect.gather @!p0 [hbm4b:s4+s21], $0x80, s23, s21, $0xb8;
	[tilespmem:$0x1E800] =	vst v63  }
0x67: {  	_ =	swait.ge @!p0 [sflag:s25], $0x3E80  }
0x68: {  	s26 =	simm.s32 $0x1;
	s24 =	simm.s32 @!p0 $0x4;
	[sflag:s25] =	ssyncset.done @!p0 $0x0  }
0x69: {  	s23 =	simm.s32 @!p0 $0x2800;
	s24 =	simm.s32 @p0 $0x3;
	[sflag:s25] =	ssyncadd.s32 @!p0 $0xFFFFC180  }
0x6a: {  	[spmem:s2] =	stream.indirect.scatter.add.f32 @!p0 [tilespmem:s23], [sflag:$0x4], $0x80, s22, s21, $0xb8;
	[tilespmem:$0x1E800] =	vst v63  }
0x6b: {  	s25 =	sand.u32 $0x1, s26;
	s23 =	simm.s32 $0x2;
	_ =	swait.ge [sflag:s24], $0x3E80  }
0x6c: {  	s22 =	simm.s32 $0x100;
	s21 =	simm.s32 $0x1480;
	[sflag:s24] =	ssyncset.done $0x0  }
.LBB2_4:
0x6d: {  	p0 =	seq.s32 s25, $0x1  }
0x6e: {  	[sflag:s24] =	ssyncadd.s32 $0xFFFFC180;
	s25 =	smov.u32 s23;
	s23 =	sadd.s32 $0x1, s23  }
0x6f: {  	s26 =	simm.s32 @p0 $0x7D;
	s24 =	simm.s32 @p0 $0x2800;
	s28 =	simm.s32 @p0 $0x2  }
0x70: {  	[tilespmem:s24], [sflag:$0x1] =	stream.indirect.gather @p0 [hbm4b:s4+s26], $0x80, s22, s26, $0xb8;
	[tilespmem:$0x1E800] =	vst v63  }
0x71: {  	p1 =	sne.s32 s23, $0x27;
	s24 =	simm.s32 @!p0 $0x4;
	_ =	swait.ge @p0 [sflag:s28], $0x3E80  }
0x72: {  	[sflag:s28] =	ssyncset.done @p0 $0x0  }
0x73: {  	[sflag:s28] =	ssyncadd.s32 @p0 $0xFFFFC180;
	s28 =	simm.s32 @p0 $0x6800  }
0x74: {  	[spmem:s2] =	stream.indirect.scatter.add.f32 @p0 [tilespmem:s28], [sflag:$0x3], $0x80, s21, s26, $0xb8;
	[tilespmem:$0x1E800] =	vst v63  }
0x75: {  	s29 =	simm.s32 @!p0 $0x1;
	s26 =	simm.s32 @!p0 $0x7D;
	s28 =	simm.s32 @!p0 $0x6800  }
0x76: {  	[tilespmem:s28], [sflag:$0x2] =	stream.indirect.gather @!p0 [hbm4b:s4+s26], $0x80, s22, s26, $0xb8;
	[tilespmem:$0x1E800] =	vst v63  }
0x77: {  	_ =	swait.ge @!p0 [sflag:s29], $0x3E80  }
.Ltmp1:
0x78: {  	[sflag:s29] =	ssyncset.done @!p0 $0x0;
	(pc) =	sbr.rel @p1 .LBB2_4-.Ltmp1, $4  }
0x79: {  	s24 =	simm.s32 @p0 $0x3;
	s28 =	simm.s32 @!p0 $0x2800;
	[sflag:s29] =	ssyncadd.s32 @!p0 $0xFFFFC180  }
0x7a: {  	[spmem:s2] =	stream.indirect.scatter.add.f32 @!p0 [tilespmem:s28], [sflag:$0x4], $0x80, s21, s26, $0xb8;
	[tilespmem:$0x1E800] =	vst v63  }
0x7b: {  	s22 =	sadd.s32 $0x80, s22;
	_ =	swait.ge [sflag:s24], $0x3E80  }
0x7c: {  	s25 =	sand.u32 $0x1, s25;
	s21 =	sadd.s32 $0x80, s21;
	[sflag:s24] =	ssyncset.done $0x0  }
0x7d: {  	p0 =	seq.s32 s25, $0x1;
	[sflag:s24] =	ssyncadd.s32 $0xFFFFC180  }
0x7e: {  	s23 =	simm.s32 @p0 $0x7D;
	s24 =	simm.s32 @p0 $0x2800;
	s25 =	simm.s32 @p0 $0x2  }
0x7f: {  	[tilespmem:s24], [sflag:$0x1] =	stream.indirect.gather @p0 [hbm4b:s4+s23], $0x80, s22, s23, $0xb8;
	[tilespmem:$0x1E800] =	vst v63  }
0x80: {  	_ =	swait.ge @p0 [sflag:s25], $0x3E80  }
0x81: {  	[sflag:s25] =	ssyncset.done @p0 $0x0  }
0x82: {  	s24 =	simm.s32 @p0 $0x6800;
	[sflag:s25] =	ssyncadd.s32 @p0 $0xFFFFC180  }
0x83: {  	[spmem:s2] =	stream.indirect.scatter.add.f32 @p0 [tilespmem:s24], [sflag:$0x3], $0x80, s21, s23, $0xb8;
	[tilespmem:$0x1E800] =	vst v63  }
0x84: {  	s25 =	simm.s32 @!p0 $0x1;
	s23 =	simm.s32 @!p0 $0x7D;
	s24 =	simm.s32 @!p0 $0x6800  }
0x85: {  	[tilespmem:s24], [sflag:$0x2] =	stream.indirect.gather @!p0 [hbm4b:s4+s23], $0x80, s22, s23, $0xb8;
	[tilespmem:$0x1E800] =	vst v63  }
0x86: {  	_ =	swait.ge @!p0 [sflag:s25], $0x3E80  }
0x87: {  	s22 =	simm.s32 @!p0 $0x4;
	[sflag:s25] =	ssyncset.done @!p0 $0x0  }
0x88: {  	s24 =	simm.s32 @!p0 $0x2800;
	s22 =	simm.s32 @p0 $0x3;
	[sflag:s25] =	ssyncadd.s32 @!p0 $0xFFFFC180  }
0x89: {  	[spmem:s2] =	stream.indirect.scatter.add.f32 @!p0 [tilespmem:s24], [sflag:$0x4], $0x80, s21, s23, $0xb8;
	[tilespmem:$0x1E800] =	vst v63  }
0x8a: {  	_ =	swait.ge [sflag:s22], $0x3E80  }
0x8b: {  	[sflag:s22] =	ssyncset.done $0x0  }
0x8c: {  	[sflag:s22] =	ssyncadd.s32 $0xFFFFC180  }
0x8d: {  	_ =	swait.ge [sflag:s17], $0x3E80  }
0x8e: {  	[sflag:s17] =	ssyncset.done $0x0  }
0x8f: {  	[sflag:s17] =	ssyncadd.s32 $0xFFFFC180  }
0x90: {  	[spmem:s2] =	stream.indirect.scatter.add.f32 [tilespmem:s19], [sflag:$0x3], $0x80, s18, s15, $0xb8;
	[tilespmem:$0x1E800] =	vst v63  }
0x91: {  	_ =	swait.ge [sflag:s14], $0x3E80  }
0x92: {  	s20 =	sadd.s32 $0x1, s20;
	[sflag:s14] =	ssyncset.done $0x0  }
0x93: {  	p0 =	sne.s32 s20, s12;
	[sflag:s14] =	ssyncadd.s32 $0xFFFFC180  }
.Ltmp2:
0x94: {  	[bflag:$0x0] =	sbarrier.arrive $0xFFFF;
	(pc) =	sbr.rel @p0 .LBB2_1-.Ltmp2, $4  }
0x95: {  	[hbm:s11], [sflag:s6] =	dma.local [spmem:s13], $0x2800  }
0x96: {  	_ =	swait.ge [sflag:s14], $0x2800  }
0x97: {  	[sflag:s14] =	ssyncset.done $0x0  }
0x98: {  	[sflag:s14] =	ssyncadd.s32 $0xFFFFD800  }
0x99: {  	_ =	sfence.sel $0x180000  }
0x9a: {  	[bflag:$0x0] =	sbarrier.arrive $0xFFFF  }
0x9b: {  	p0 =	sne.s32 s1, $0x0;
	_ =	strace $0x9000004A  }
0x9c: {  	s0 =	sadd.s32 @!p0 $0x100000, s0;
	[bflag:$0x2] =	sbarrier.arrive $0xFFFF  }
0x9d: {  	[sflag:s0] =	ssyncadd.tile.s32 @!p0 $0x1;
	_ =	shalt  }
.Lfunc_end2:
_tile_overlayer_lowered:
.L_overlay_start_2:
0x9e: {  	(tag) =	ssettag $0x2  }
0x9f: {  	s0 =	rddreg [dreg:$0x0];
	s2 =	stileid.u32  }
0xa0: {  	s1 =	rddreg [dreg:$0x1];
	p0 =	sne.s32 s2, $0x0  }
0xa1: {  	s3 =	rddreg [dreg:$0x2];
	[bflag:$0x3] =	sbarrier.arrive $0xFFFF;
	s2 =	simm.s32 @!p0 $0x1C03  }
0xa2: {  	[timem:s3], [sflag:s2] =	dma.local @!p0 [hbm:s0], s1  }
0xa3: {  	s0 =	simm.s32 @!p0 $0x3  }
0xa4: {  	_ =	swait.ge @!p0 [sflag:s0], s1  }
0xa5: {  	s1 =	ssub.s32 @!p0 $0x0, s1;
	[sflag:s0] =	ssyncset.done @!p0 $0x0  }
0xa6: {  	[sflag:s0] =	ssyncadd.s32 @!p0 s1  }
0xa7: {  	[bflag:$0x3] =	sbarrier.arrive $0xFFFF  }
0xa8: {  	_ =	shalt  }

// kernel: kernel.7.cloned.1.call-start
scs
__scs_entry_jumppad:
0x0: {  	(pc) =	sbr.rel $0x88, $3  }
0x1: {  	(tag) =	ssettag $0x0;
	lr =	simm.s32 $0x1  }
0x2: {  	[smem:$0x3F9D] =	sst lr;
	_ =	strace $0xD0000000  }
0x3: {  	_ = 	snop  }
0x4: {  	_ = 	snop  }
0x5: {  	_ = 	snop  }
0x6: {  	_ = 	snop  }
0x7: {  	_ = 	snop  }
__scs_overlays_trampoline_lowered:
0x8: {  	[smem:$0x3FAC] =	sst s0  }
0x9: {  	[smem:$0x3FAD] =	sst s1  }
0xa: {  	[smem:$0x3FAE] =	sst s2  }
0xb: {  	[smem:$0x3FAF] =	sst s3  }
0xc: {  	[smem:$0x3FB0] =	sst s4  }
0xd: {  	[smem:$0x3FB1] =	sst s5  }
0xe: {  	[smem:$0x3FB2] =	sst s6  }
0xf: {  	[smem:$0x3FB3] =	sst s7  }
0x10: {  	[smem:$0x3FB4] =	sst s8  }
0x11: {  	[smem:$0x3FB5] =	sst s9;
	s0 =	simm.s32 @!p0 $0x0  }
0x12: {  	s1 =	sld [smem:$0x3F9B];
	s0 =	simm.s32 @p0 $0x1  }
0x13: {  	[smem:$0x3FB6] =	sst s0;
	s0 =	simm.s32 @!p1 $0x0  }
0x14: {  	s2 =	sld [smem:$0x3F9A];
	s0 =	simm.s32 @p1 $0x1  }
0x15: {  	[smem:$0x3FB7] =	sst s0;
	s0 =	simm.s32 @!p2 $0x0  }
0x16: {  	s3 =	sld [smem:$0x3FDB];
	s0 =	simm.s32 @p2 $0x1  }
0x17: {  	s4 =	simm.s32 $0x1BF5;
	[smem:$0x3FB9] =	sst s0  }
0x18: {  	s0 =	sld [smem:$0x3F9C];
	_ =	swait.ge [sflag:s4], $0x0  }
0x19: {  	s7 =	sld [smem:$0x3F9D]  }
0x1a: {  	s8 =	sadd.s32 $0xFFFFE003, lr  }
0x1b: {  	s9 =	sadd.s32 $0xFFFFFEF7, lr;
	s5 =	simm.s32 $0xFFFFFFFF;
	p2 =	slt.u32 s8, $0xFFFFF086  }
0x1c: {  	p1 =	slt.u32 s9, $0xF7A;
	s5 =	simm.s32 @!p2 $0x0  }
0x1d: {  	s5 =	simm.s32 @p1 $0x1;
	p0 =	seq.s32 s7, s2  }
0x1e: {  	s7 =	smul.u32 @!p0 $0xF7A, s2;
	p2 =	seq.s32 @!p0 s5, $0x0  }
0x1f: {  	s9 =	smul.u32 $0xF7A, s1;
	s8 =	simm.s32 @!p0 $0x1BF5;
	p2 =	por !p2, p0  }
0x20: {  	[sflag:s8] =	ssyncset.s32 @!p0 $0xFFFFF086;
	s6 =	sadd.s32 @!p0 s3, s7;
	s7 =	simm.s32 @!p0 $0x108  }
0x21: {  	s3 =	sadd.s32 s3, s9;
	s6 =	sadd.s32 @!p0 $0x88, s6;
	s7 =	simm.s32 @p2 $0x1082  }
0x22: {  	[simem:s7], [sflag:s8] =	dma.local @!p0 [hbm:s6], $0xF7A  }
0x23: {  	s9 =	sor.u32 $0xD0000000, s2;
	s6 =	simm.s32 $0x108;
	_ =	swait.ge @!p0 [sflag:s8], $0x0  }
0x24: {  	s3 =	sadd.s32 $0x88, s3;
	s6 =	simm.s32 @!p1 $0x1082;
	[sflag:s4] =	ssyncset.s32 $0xFFFFF086  }
0x25: {  	[simem:s6], [sflag:s4] =	dma.local [hbm:s3], $0xF7A  }
0x26: {  	[smem:$0x3F9D] =	sst s1;
	(tag) =	ssettag s2;
	_ =	strace s9  }
0x27: {  	s1 =	sld [smem:$0x3FAD]  }
0x28: {  	s2 =	sld [smem:$0x3FAE]  }
0x29: {  	s4 =	sld [smem:$0x3FB0]  }
0x2a: {  	p0 =	seq.s32 s5, $0x0;
	s5 =	sld [smem:$0x3FB1]  }
0x2b: {  	s6 =	sld [smem:$0x3FB2]  }
0x2c: {  	s7 =	sld [smem:$0x3FB3]  }
0x2d: {  	s3 =	simm.s32 $0x108;
	s8 =	sld [smem:$0x3FB4]  }
0x2e: {  	s3 =	simm.s32 @!p0 $0x1082;
	s9 =	sld [smem:$0x3FB5]  }
0x2f: {  	lr =	sadd.s32 s0, s3;
	s0 =	sld [smem:$0x3FAC]  }
0x30: {  	s3 =	sld [smem:$0x3FAF]  }
0x31: {  	[smem:$0x3FB8] =	sst s10  }
0x32: {  	s10 =	sld [smem:$0x3FB6];
	_ =	sdelay $0x3  }
0x33: {  	p0 =	seq.s32 s10, $0x1;
	s10 =	sld [smem:$0x3FB8];
	_ =	sdelay $0x3  }
0x34: {  	[smem:$0x3FB8] =	sst s10  }
0x35: {  	s10 =	sld [smem:$0x3FB7];
	_ =	sdelay $0x3  }
0x36: {  	p1 =	seq.s32 s10, $0x1;
	s10 =	sld [smem:$0x3FB8];
	_ =	sdelay $0x3  }
0x37: {  	[smem:$0x3FB8] =	sst s10  }
0x38: {  	s10 =	sld [smem:$0x3FB9]  }
0x39: {  	_ = 	snop;
	(pc) =	sbr.ind lr, $3  }
0x3a: {  	_ = 	snop  }
0x3b: {  	_ = 	snop  }
0x3c: {  	p2 =	seq.s32 s10, $0x1;
	s10 =	sld [smem:$0x3FB8]  }
0x3d: {  	_ =	shalt  }
0x3e: {  	_ =	shalt  }
0x3f: {  	_ =	shalt  }
0x40: {  	_ =	shalt  }
0x41: {  	_ =	shalt  }
0x42: {  	_ =	shalt  }
0x43: {  	_ =	shalt  }
0x44: {  	_ =	shalt  }
0x45: {  	_ =	shalt  }
0x46: {  	_ =	shalt  }
0x47: {  	_ =	shalt  }
0x48: {  	_ =	shalt  }
0x49: {  	_ =	shalt  }
0x4a: {  	_ =	shalt  }
0x4b: {  	_ =	shalt  }
0x4c: {  	_ =	shalt  }
0x4d: {  	_ =	shalt  }
0x4e: {  	_ =	shalt  }
0x4f: {  	_ =	shalt  }
0x50: {  	_ =	shalt  }
0x51: {  	_ =	shalt  }
0x52: {  	_ =	shalt  }
0x53: {  	_ =	shalt  }
0x54: {  	_ =	shalt  }
0x55: {  	_ =	shalt  }
0x56: {  	_ =	shalt  }
0x57: {  	_ =	shalt  }
0x58: {  	_ =	shalt  }
0x59: {  	_ =	shalt  }
0x5a: {  	_ =	shalt  }
0x5b: {  	_ =	shalt  }
0x5c: {  	_ =	shalt  }
0x5d: {  	_ =	shalt  }
0x5e: {  	_ =	shalt  }
0x5f: {  	_ =	shalt  }
0x60: {  	_ =	shalt  }
0x61: {  	_ =	shalt  }
0x62: {  	_ =	shalt  }
0x63: {  	_ =	shalt  }
0x64: {  	_ =	shalt  }
0x65: {  	_ =	shalt  }
0x66: {  	_ =	shalt  }
0x67: {  	_ =	shalt  }
0x68: {  	_ =	shalt  }
0x69: {  	_ =	shalt  }
0x6a: {  	_ =	shalt  }
0x6b: {  	_ =	shalt  }
0x6c: {  	_ =	shalt  }
0x6d: {  	_ =	shalt  }
0x6e: {  	_ =	shalt  }
0x6f: {  	_ =	shalt  }
0x70: {  	_ =	shalt  }
0x71: {  	_ =	shalt  }
0x72: {  	_ =	shalt  }
0x73: {  	_ =	shalt  }
0x74: {  	_ =	shalt  }
0x75: {  	_ =	shalt  }
0x76: {  	_ =	shalt  }
0x77: {  	_ =	shalt  }
0x78: {  	_ =	shalt  }
0x79: {  	_ =	shalt  }
0x7a: {  	_ =	shalt  }
0x7b: {  	_ =	shalt  }
0x7c: {  	_ =	shalt  }
0x7d: {  	_ =	shalt  }
0x7e: {  	_ =	shalt  }
0x7f: {  	_ =	shalt  }
0x80: {  	_ =	shalt  }
0x81: {  	_ =	shalt  }
0x82: {  	_ =	shalt  }
0x83: {  	_ =	shalt  }
0x84: {  	_ =	shalt  }
0x85: {  	_ =	shalt  }
0x86: {  	_ =	shalt  }
0x87: {  	_ =	shalt  }
.Lfunc_end0:
.L_simem_size_0:
called_computation_lowered:
.L_overlay_start_0:
0x88: {  	s2 =	sld [smem:$0x3FD9]  }
0x89: {  	s3 =	sld [smem:$0x3FFE];
	_ =	sdelay $0x1  }
0x8a: {  	s1 =	srdreg.scid  }
0x8b: {  	s0 =	sand.u32 $0x1, s1  }
0x8c: {  	s16 =	sshll.u32 s0, $0xA;
	s2 =	sadd.s32 s3, s2  }
0x8d: {  	s2 =	sadd.s32 s2, s16  }
0x8e: {  	[smem:$0x3FC4] =	sst s2  }
0x8f: {  	_ = 	snop  }
0x90: {  	(tm) =	ssettm $0x1  }
0x91: {  	s17 =	sld [smem:$0x3FFB];
	_ =	sdelay $0x3  }
0x92: {  	_ =	strace s17  }
0x93: {  	s2 =	sld [smem:$0x3FFC];
	_ =	sdelay $0x3  }
0x94: {  	_ =	strace s2  }
0x95: {  	s2 =	sld [smem:$0x3FFD];
	_ =	sdelay $0x3  }
0x96: {  	_ =	strace s2  }
0x97: {  	_ =	strace $0x8FFFFFFF  }
0x98: {  	s18 =	sld [smem:$0x3FDB];
	_ =	sdelay $0x1  }
0x99: {  	s19 =	simm.s32 $_scs_section_size  }
0x9a: {  	s4 =	simm.s32 $_size__tile_overlayer_lowered;
	s5 =	simm.s32 $_tile_overlayer_lowered  }
0x9b: {  	s22 =	simm.s32 $0x1BFF;
	s21 =	sshll.u32 s5, $0x1;
	s2 =	sadd.s32 s19, s18  }
0x9c: {  	s6 =	simm.s32 $0x0;
	s20 =	sshll.u32 s4, $0x1;
	s4 =	sadd.s32 s21, s2  }
0x9d: {  	[timem:s6], [sflag:s22] =	dma.local [hbm:s4], s20  }
0x9e: {  	_ =	swait.ge [sflag:s22], s20  }
0x9f: {  	s3 =	ssub.s32 $0x0, s20;
	[sflag:s22] =	ssyncset.done $0x0  }
0xa0: {  	[sflag:s22] =	ssyncadd.s32 s3;
	_ =	sdelay $0x1  }
0xa1: {  	s23 =	simm.s32 $0x1B8B  }
0xa2: {  	_ =	swait.ge [sflag:s23], $0x1  }
0xa3: {  	[sflag:s23] =	ssyncset.done $0x0  }
0xa4: {  	s25 =	simm.s32 $0x1B8E;
	s24 =	sld [smem:$0x3FFE];
	[sflag:s23] =	ssyncadd.s32 $0xFFFFFFFF  }
0xa5: {  	s26 =	simm.s32 $execute0_lowered;
	[smem:$0x3FD2] =	sst s25  }
0xa6: {  	s4 =	sshll.u32 s26, $0x1;
	_ =	strace $0x80000046;
	[dreg:$0x1] =	wrdreg $0xFFFFFFFF  }
0xa7: {  	s28 =	simm.s32 $_size_execute0_lowered;
	s2 =	sadd.s32 s2, s4;
	[dreg:$0x0] =	wrdreg $0x0  }
0xa8: {  	s4 =	sshll.u32 s28, $0x1;
	[dreg:$0x2] =	wrdreg s2  }
0xa9: {  	[dreg:$0x3] =	wrdreg s4  }
0xaa: {  	[dreg:$0x4] =	wrdreg $0xC0  }
0xab: {  	_ =	task [dreg:s6], $0x5FFFF  }
0xac: {  	[dreg:$0x1] =	wrdreg $0xFFFFFFFF  }
0xad: {  	[dreg:$0x0] =	wrdreg $0x60  }
0xae: {  	[dreg:$0x2] =	wrdreg s24  }
0xaf: {  	[dreg:$0x3] =	wrdreg $0x68000  }
0xb0: {  	[dreg:$0x4] =	wrdreg $0x9  }
0xb1: {  	_ =	task.clear_ibuf [dreg:s6], $0x5FFFF;
	_ =	strace $0x90000046  }
0xb2: {  	s29 =	simm.s32 $0x9;
	_ =	strace $0x80000048  }
0xb3: {  	_ =	swait.ge [sflag:s29], $0x1  }
0xb4: {  	[sflag:s29] =	ssyncadd.s32 $0xFFFFFFFF  }
0xb5: {  	_ =	strace $0x90000048  }
0xb6: {  	_ =	sfence  }
0xb7: {  	s30 =	sld [smem:$0x0];
	_ =	sdelay $0x2  }
0xb8: {  	s31 =	sshll.u32 s1, $0xD;
	s1 =	sshrl.u32 s1, $0x2  }
0xb9: {  	s3 =	sand.u32 $0x4000, s31;
	s1 =	sadd.s32 s1, s30  }
0xba: {  	s0 =	sor.u32 s3, s0;
	s1 =	sshll.u32 s1, $0x11  }
0xbb: {  	s0 =	sor.u32 s1, s0  }
0xbc: {  	s0 =	sadd.s32 $0x8F2B, s0  }
0xbd: {  	[sflag:s0] =	ssyncadd.remote.s32 $0x1  }
0xbe: {  	_ =	sfence.sel $0xFFFF  }
0xbf: {  	[dreg:$0x0] =	wrdreg $0xFFFFFFFF;
	(pc) =	sbr.abs _section_cstart, $3  }
0xc0: {  	[dreg:$0x1] =	wrdreg $0xFFFFFFFF  }
0xc1: {  	_ =	task.clear_ibuf [dreg:s6], $0x2FFFF;
	_ =	strace $0x9FFFFFFF  }
0xc2: {  	(tm) =	ssettm $0x7FFFFFFF  }
0xc3: {  	_ =	shalt  }
tec
execute0_lowered:
.L_overlay_start_1:
0x0: {  	(tag) =	ssettag $0x1  }
0x1: {  	s0 =	srdreg.scid;
	s6 =	rddreg [dreg:$0x0]  }
0x2: {  	s2 =	rddreg [dreg:$0x1];
	s5 =	sand.u32 $0x1, s0;
	s0 =	stileid.u32  }
0x3: {  	s3 =	simm.s32 $0x0;
	s13 =	simm.s32 $0x7D;
	s7 =	smul.u32 $0x14000, s0  }
0x4: {  	s14 =	simm.s32 $0x0;
	[smem:$0x7FF] =	sst s3;
	s8 =	smul.u32 $0x140000, s5  }
0x5: {  	s1 =	sshll.u32 s5, $0x4;
	s5 =	ssub.s32 $0x2, s5;
	s29 =	smul.u32 $0x50000, s0  }
0x6: {  	s31 =	sshll.u32 s0, $0x6;
	s4 =	sor.u32 s0, s1;
	s1 =	rddreg [dreg:$0x2]  }
0x7: {  	_ =	strace $0x80000047;
	s11 =	sshrl.u32 s5, $0x1;
	s4 =	smul.u32 $0x500, s4  }
0x8: {  	s10 =	sshrl.u32 s7, $0x3;
	s7 =	sadd.s32 s7, s8;
	s11 =	ssub.s32 s5, s11  }
0x9: {  	s30 =	sshrl.u32 s29, $0x2;
	s10 =	sadd.s32 s10, s6;
	s7 =	sshrl.u32 s7, $0x3  }
0xa: {  	s12 =	sadd.s32 s30, s2;
	s8 =	smax.u32 s11, $0x1;
	s11 =	sor.u32 $0x1C01, s31  }
0xb: {  	s9 =	sadd.s32 s4, s6;
	s4 =	sadd.s32 $0xB400, s6;
	s7 =	sadd.s32 s7, s6  }
0xc: {  	s6 =	sadd.s32 $0xBC00, s10;
	s10 =	simm.s32 $0x2800;
	s12 =	sshrl.u32 s12, $0x3  }
0xd: {  	s5 =	sadd.s32 $0x1400, s9;
	s7 =	sadd.s32 $0x33C00, s7;
	s9 =	simm.s32 $0x1  }
.LBB2_1:
0xe: {  	[tilespmem:s3], [sflag:$0x1] =	stream.linear.gather [hbm4b:s5+s3], $0x2800, $0x38;
	[tilespmem:$0x1A800] =	vst v63  }
0xf: {  	_ =	swait.ge [sflag:s9], $0x2800  }
0x10: {  	[sflag:s9] =	ssyncset.done $0x0  }
0x11: {  	[sflag:s9] =	ssyncadd.s32 $0xFFFFD800  }
0x12: {  	[tilespmem:s10], [sflag:$0x1] =	stream.linear.gather [hbm4b:s4+s3], $0x3E80, $0x38;
	[tilespmem:$0x1A800] =	vst v63  }
0x13: {  	_ =	swait.ge [sflag:s9], $0x3E80  }
0x14: {  	[sflag:s9] =	ssyncset.done $0x0  }
0x15: {  	[sflag:s9] =	ssyncadd.s32 $0xFFFFC180  }
0x16: {  	[spmem:s12], [sflag:s11] =	dma.local [hbm:s6], $0x2800  }
0x17: {  	_ =	swait.ge [sflag:s9], $0x2800  }
0x18: {  	[sflag:s9] =	ssyncset.done $0x0  }
0x19: {  	[sflag:s9] =	ssyncadd.s32 $0xFFFFD800  }
0x1a: {  	s15 =	simm.s32 $0x0;
	[bflag:$0x0] =	sbarrier.arrive $0xFFFF  }
0x1b: {  	[spmem:s2] =	stream.indirect.scatter.add.f32 [tilespmem:s10], [sflag:$0x1], $0x80, s15, s13, $0xb8;
	[tilespmem:$0x1A800] =	vst v63  }
0x1c: {  	_ =	swait.ge [sflag:s9], $0x3E80  }
0x1d: {  	s15 =	simm.s32 $0x200;
	[sflag:s9] =	ssyncset.done $0x0  }
.LBB2_2:
0x1e: {  	s16 =	sshra.s32 s15, $0x2;
	[sflag:s9] =	ssyncadd.s32 $0xFFFFC180;
	p0 =	sne.s32 s15, $0x9E00  }
0x1f: {  	[spmem:s2] =	stream.indirect.scatter.add.f32 [tilespmem:s10], [sflag:$0x1], $0x80, s16, s13, $0xb8;
	[tilespmem:$0x1A800] =	vst v63  }
.Ltmp0:
0x20: {  	_ = 	snop;
	(pc) =	sbr.rel @p0 .LBB2_2-.Ltmp0, $4  }
0x21: {  	_ = 	snop  }
0x22: {  	s15 =	sadd.s32 $0x200, s15  }
0x23: {  	_ =	swait.ge [sflag:s9], $0x3E80  }
0x24: {  	[sflag:s9] =	ssyncset.done $0x0  }
0x25: {  	s14 =	sadd.s32 $0x1, s14  }
0x26: {  	[sflag:s9] =	ssyncadd.s32 $0xFFFFC180;
	p0 =	sne.s32 s14, s8  }
.Ltmp1:
0x27: {  	[bflag:$0x0] =	sbarrier.arrive $0xFFFF;
	(pc) =	sbr.rel @p0 .LBB2_1-.Ltmp1, $4  }
0x28: {  	[hbm:s7], [sflag:s11] =	dma.local [spmem:s12], $0x2800  }
0x29: {  	_ =	swait.ge [sflag:s9], $0x2800  }
0x2a: {  	[sflag:s9] =	ssyncset.done $0x0  }
0x2b: {  	[sflag:s9] =	ssyncadd.s32 $0xFFFFD800  }
0x2c: {  	_ =	sfence.sel $0x180000  }
0x2d: {  	[bflag:$0x0] =	sbarrier.arrive $0xFFFF  }
0x2e: {  	p0 =	sne.s32 s0, $0x0;
	_ =	strace $0x90000047  }
0x2f: {  	s0 =	sadd.s32 @!p0 $0x100000, s1;
	[bflag:$0x2] =	sbarrier.arrive $0xFFFF  }
0x30: {  	[sflag:s0] =	ssyncadd.tile.s32 @!p0 $0x1;
	_ =	shalt  }
.Lfunc_end2:
_tile_overlayer_lowered:
.L_overlay_start_2:
0x31: {  	(tag) =	ssettag $0x2  }
0x32: {  	s0 =	rddreg [dreg:$0x0];
	s2 =	stileid.u32  }
0x33: {  	s1 =	rddreg [dreg:$0x1];
	p0 =	sne.s32 s2, $0x0  }
0x34: {  	s3 =	rddreg [dreg:$0x2];
	[bflag:$0x3] =	sbarrier.arrive $0xFFFF;
	s2 =	simm.s32 @!p0 $0x1C01  }
0x35: {  	[timem:s3], [sflag:s2] =	dma.local @!p0 [hbm:s0], s1  }
0x36: {  	s0 =	simm.s32 @!p0 $0x1  }
0x37: {  	_ =	swait.ge @!p0 [sflag:s0], s1  }
0x38: {  	s1 =	ssub.s32 @!p0 $0x0, s1;
	[sflag:s0] =	ssyncset.done @!p0 $0x0  }
0x39: {  	[sflag:s0] =	ssyncadd.s32 @!p0 s1  }
0x3a: {  	[bflag:$0x3] =	sbarrier.arrive $0xFFFF  }
0x3b: {  	_ =	shalt  }

</sc_bundles>
